<compile_context>
chip_gen: v7x
topology: tpu7x:2x2x1
jax: 0.10.2.dev20260603
libtpu: 0.0.44.dev20260713+nightly
codegen_flags: <defaults>
</compile_context>

<pallas_src>
import functools

import jax
import jax.numpy as jnp
from jax import lax
from jax.experimental import pallas as pl
from jax.experimental.pallas import tpu as pltpu
from jax.experimental.pallas import tpu_sc as plsc

B = 16384
D = 64
K = 20
NW = 32
NB = B // NW
C = 32
NCH = NB // C
CLAMP = 4.0

_LOG1P = (
    2.38672349e-09, 9.99999671e-01, -4.99988787e-01, 3.33167154e-01,
    -2.48659331e-01, 1.93379621e-01, -1.45182331e-01, 9.47104384e-02,
    -4.71380052e-02, 1.51470705e-02, -2.28832363e-03,
)


def _softplus(v):
    u = jnp.exp(-jnp.abs(v))
    acc = jnp.full((16,), _LOG1P[-1], jnp.float32)
    for coef in _LOG1P[-2::-1]:
        acc = acc * u + jnp.float32(coef)
    return jnp.maximum(v, 0.0) + acc


def _sc_body(in_idx_hbm, pos_idx_hbm, neg_idx_hbm, emb_hbm, oemb_hbm, out_hbm,
             in_idx_v, pos_idx_v, neg_idx_v, in_rows_v, pos_rows_v,
             neg_rows_v, out_v, sem):
    wid = lax.axis_index("s") * 2 + lax.axis_index("c")
    r0 = pl.multiple_of(wid * (NB // 128), NB // 128)
    pltpu.sync_copy(in_idx_hbm.at[pl.ds(r0, NB // 128)], in_idx_v)
    pltpu.sync_copy(pos_idx_hbm.at[pl.ds(r0, NB // 128)], pos_idx_v)
    nr0 = pl.multiple_of(wid * (NB * K // 128), NB * K // 128)
    pltpu.sync_copy(neg_idx_hbm.at[pl.ds(nr0, NB * K // 128)], neg_idx_v)
    for j in range(NB // 128):
        pltpu.async_copy(emb_hbm.at[in_idx_v.at[j]],
                         in_rows_v.at[pl.ds(j * 128, 128)], sem).wait()
        pltpu.async_copy(oemb_hbm.at[pos_idx_v.at[j]],
                         pos_rows_v.at[pl.ds(j * 128, 128)], sem).wait()

    lane = lax.iota(jnp.int32, 16)
    himask = jnp.where(lane < K - 15, 1.0, 0.0).astype(jnp.float32)
    zeros = jnp.zeros((16,), jnp.float32)

    def chunk_body(c, carry):
        cr = pl.multiple_of(c * (C * K // 128), C * K // 128)
        for j in range(C * K // 128):
            pltpu.async_copy(oemb_hbm.at[neg_idx_v.at[cr + j]],
                             neg_rows_v.at[pl.ds(j * 128, 128)], sem).wait()

        def b_body(bl, res):
            gb = c * C + bl
            i0 = in_rows_v[gb, pl.ds(0, 16)]
            i1 = in_rows_v[gb, pl.ds(16, 16)]
            i2 = in_rows_v[gb, pl.ds(32, 16)]
            i3 = in_rows_v[gb, pl.ds(48, 16)]
            p0 = pos_rows_v[gb, pl.ds(0, 16)]
            p1 = pos_rows_v[gb, pl.ds(16, 16)]
            p2 = pos_rows_v[gb, pl.ds(32, 16)]
            p3 = pos_rows_v[gb, pl.ds(48, 16)]
            s = jnp.sum(i0 * p0 + i1 * p1 + i2 * p2 + i3 * p3)
            v0 = jnp.where(lane == 0, -jnp.clip(s, -CLAMP, CLAMP), zeros)
            v1 = zeros
            for k in range(K):
                rb = bl * K + k
                n0 = neg_rows_v[rb, pl.ds(0, 16)]
                n1 = neg_rows_v[rb, pl.ds(16, 16)]
                n2 = neg_rows_v[rb, pl.ds(32, 16)]
                n3 = neg_rows_v[rb, pl.ds(48, 16)]
                s = jnp.clip(jnp.sum(i0 * n0 + i1 * n1 + i2 * n2 + i3 * n3),
                             -CLAMP, CLAMP)
                if k < 15:
                    v0 = jnp.where(lane == 1 + k, s, v0)
                else:
                    v1 = jnp.where(lane == k - 15, s, v1)
            total = jnp.sum(_softplus(v0) + _softplus(v1) * himask)
            res = jnp.where(lane == lax.rem(bl, 16), total, res)

            @pl.when(lax.rem(bl, 16) == 15)
            def _store():
                ob = pl.multiple_of(c * C + bl - 15, 16)
                out_v[pl.ds(ob, 16)] = res

            return res

        lax.fori_loop(0, C, b_body, zeros)
        return carry

    lax.fori_loop(0, NCH, chunk_body, 0)
    ob = pl.multiple_of(wid * NB, NB)
    pltpu.sync_copy(out_v, out_hbm.at[pl.ds(ob, NB)])


_sc_kernel = functools.partial(
    pl.kernel,
    mesh=plsc.VectorSubcoreMesh(core_axis_name="c", subcore_axis_name="s"),
    out_type=jax.ShapeDtypeStruct((B,), jnp.float32),
    compiler_params=pltpu.CompilerParams(
        needs_layout_passes=False, use_tc_tiling_on_sc=False),
    scratch_types=[
        pltpu.VMEM((NB // 128, 128), jnp.int32),
        pltpu.VMEM((NB // 128, 128), jnp.int32),
        pltpu.VMEM((NB * K // 128, 128), jnp.int32),
        pltpu.VMEM((NB, D), jnp.float32),
        pltpu.VMEM((NB, D), jnp.float32),
        pltpu.VMEM((C * K, D), jnp.float32),
        pltpu.VMEM((NB,), jnp.float32),
        pltpu.SemaphoreType.DMA,
    ],
)(_sc_body)


@jax.jit
def kernel(inputs, positiveOutputs, negativeOutputs, emb_weight,
           out_emb_weight):
    in_idx = inputs.astype(jnp.int32).reshape(B // 128, 128)
    pos_idx = positiveOutputs.astype(jnp.int32).reshape(B // 128, 128)
    neg_idx = negativeOutputs.astype(jnp.int32).reshape(B * K // 128, 128)
    return _sc_kernel(in_idx, pos_idx, neg_idx, emb_weight, out_emb_weight)

# --- scband reference (transcript-rebuilt; emitter-appended) ---
"""Pipeline reference for scband-skip-gram-with-negative-sampling-24739011625650 (READ-ONLY COPY).

The authoritative reference and input builder live on the scoring server;
editing this copy changes nothing except your own understanding.
"""

import jax, jax.numpy as jnp
import numpy as np

VOCAB = 1000000
DIM = 64
NNEG = 20
BATCH = 16384
CLAMP = 4.0


def setup_inputs(seed: int = 0) -> dict:
    key = jax.random.key(seed)
    k1, k2, k3, k4, k5 = jax.random.split(key, 5)
    max_w = 1.0 / np.sqrt(DIM)
    inputs = jax.random.randint(k1, (BATCH,), 0, VOCAB, dtype=jnp.int64) if jax.config.jax_enable_x64 else jax.random.randint(k1, (BATCH,), 0, VOCAB, dtype=jnp.int32)
    positiveOutputs = jax.random.randint(k2, (BATCH,), 0, VOCAB, dtype=inputs.dtype)
    negativeOutputs = jax.random.randint(k3, (BATCH, NNEG), 0, VOCAB, dtype=inputs.dtype)
    emb_weight = jax.random.uniform(k4, (VOCAB, DIM), dtype=jnp.float32, minval=-max_w, maxval=max_w)
    out_emb_weight = jax.random.uniform(k5, (VOCAB, DIM), dtype=jnp.float32, minval=-max_w, maxval=max_w)
    return {
        "inputs": inputs,
        "positiveOutputs": positiveOutputs,
        "negativeOutputs": negativeOutputs,
        "emb_weight": emb_weight,
        "out_emb_weight": out_emb_weight,
    }


def reference(inputs, positiveOutputs, negativeOutputs, emb_weight, out_emb_weight):
    # input (center-word) embeddings: gather from in-table
    inputEmbeddings = jnp.take(emb_weight, inputs, axis=0)            # [B, D]
    # positive (context) embeddings: gather from out-table
    positiveOutputEmbeddings = jnp.take(out_emb_weight, positiveOutputs, axis=0)  # [B, D]
    positiveScore = jnp.clip(jnp.sum(inputEmbeddings * positiveOutputEmbeddings, axis=1),
                             -CLAMP, CLAMP)                            # [B]
    positiveScoreLogSigmoid = -jax.nn.log_sigmoid(positiveScore)       # [B]
    # negative samples: gather from out-table
    negativeOutputEmbeddings = jnp.take(out_emb_weight, negativeOutputs, axis=0)  # [B, K, D]
    negativeScores = jnp.clip(jnp.sum(inputEmbeddings[:, None, :] * negativeOutputEmbeddings, axis=2),
                              -CLAMP, CLAMP)                           # [B, K]
    negativeScoresLogSigmoid = jnp.sum(-jax.nn.log_sigmoid(-negativeScores), axis=1)  # [B]
    return positiveScoreLogSigmoid + negativeScoresLogSigmoid

if __name__ == "__main__":
    import jax
    _d = setup_inputs()
    print(jax.jit(kernel)(*tuple(_d.values())))

</pallas_src>

<mosaic_0001>
#map = affine_map<(d0, d1) -> (0, 0)>
#map1 = affine_map<(d0, d1) -> (0)>
module attributes {stable_mosaic.version = 14 : i64} {
  func.func @_sc_body(%arg0: i32, %arg1: i32, %arg2: memref<128x128xi32, #tpu.memory_space<hbm>>, %arg3: memref<128x128xi32, #tpu.memory_space<hbm>>, %arg4: memref<2560x128xi32, #tpu.memory_space<hbm>>, %arg5: memref<1000000x64xf32, #tpu.memory_space<hbm>>, %arg6: memref<1000000x64xf32, #tpu.memory_space<hbm>>, %arg7: memref<16384xf32, #tpu.memory_space<hbm>>, %arg8: memref<4x128xi32, #tpu.memory_space<vmem>>, %arg9: memref<4x128xi32, #tpu.memory_space<vmem>>, %arg10: memref<80x128xi32, #tpu.memory_space<vmem>>, %arg11: memref<512x64xf32, #tpu.memory_space<vmem>>, %arg12: memref<512x64xf32, #tpu.memory_space<vmem>>, %arg13: memref<640x64xf32, #tpu.memory_space<vmem>>, %arg14: memref<512xf32, #tpu.memory_space<vmem>>, %arg15: memref<!tpu.dma_semaphore, #tpu.memory_space<semaphore_mem>>) attributes {dimension_semantics = [#tpu.dimension_semantics<core_parallel>, #tpu.dimension_semantics<subcore_parallel>], iteration_bounds = array<i64: 2, 16>, scalar_prefetch = 0 : i64, scratch_operands = 8 : i64, tpu.core_type = #tpu.core_type<sc_vector_subcore>, window_params = [{transform_indices = #map}, {transform_indices = #map}, {transform_indices = #map}, {transform_indices = #map}, {transform_indices = #map}, {transform_indices = #map1}]} {
    %mul3A = arith.constant 2 : i32
    %mul3A_0 = arith.muli %arg1, %mul3A : i32
    %add3A = arith.addi %mul3A_0, %arg0 : i32
    %mul3A_1 = arith.constant 4 : i32
    %mul3A_2 = arith.muli %add3A, %mul3A_1 : i32
    %multiple_of3A = tpu.assume_multiple %mul3A_2, 4 : i32
    "tpu.region"() ({
      %run_scoped3A = tpu.sem_alloc : memref<!tpu.dma_semaphore, #tpu.memory_space<semaphore_mem>>
      %dma_start3A_178 = arith.constant 0 : i32
      %dma_start3A_179 = tpu.memref_slice %arg2[%multiple_of3A, %dma_start3A_178] : memref<128x128xi32, #tpu.memory_space<hbm>> -> memref<4x128xi32, #tpu.memory_space<hbm>>
      %dma_start3A_180 = arith.constant 0 : i32
      %dma_start3A_181 = tpu.memref_slice %arg2[%multiple_of3A, %dma_start3A_180] : memref<128x128xi32, #tpu.memory_space<hbm>> -> memref<4x128xi32, #tpu.memory_space<hbm>>
      tpu.enqueue_dma source(%dma_start3A_181 : memref<4x128xi32, #tpu.memory_space<hbm>>) target(%arg8 : memref<4x128xi32, #tpu.memory_space<vmem>>) target_semaphore(%run_scoped3A : memref<!tpu.dma_semaphore, #tpu.memory_space<semaphore_mem>>)
      %dma_wait3A_182 = arith.constant 0 : i32
      %dma_wait3A_183 = tpu.memref_slice %arg2[%multiple_of3A, %dma_wait3A_182] : memref<128x128xi32, #tpu.memory_space<hbm>> -> memref<4x128xi32, #tpu.memory_space<hbm>>
      %dma_wait3A_184 = arith.constant 0 : i32
      %dma_wait3A_185 = tpu.memref_slice %arg2[%multiple_of3A, %dma_wait3A_184] : memref<128x128xi32, #tpu.memory_space<hbm>> -> memref<4x128xi32, #tpu.memory_space<hbm>>
      tpu.wait_dma2 semaphore(%run_scoped3A : memref<!tpu.dma_semaphore, #tpu.memory_space<semaphore_mem>>) src(%dma_wait3A_185 : memref<4x128xi32, #tpu.memory_space<hbm>>) dst(%arg8 : memref<4x128xi32, #tpu.memory_space<vmem>>)
      tpu.yield
    }) : () -> ()
    "tpu.region"() ({
      %run_scoped3A = tpu.sem_alloc : memref<!tpu.dma_semaphore, #tpu.memory_space<semaphore_mem>>
      %dma_start3A_178 = arith.constant 0 : i32
      %dma_start3A_179 = tpu.memref_slice %arg3[%multiple_of3A, %dma_start3A_178] : memref<128x128xi32, #tpu.memory_space<hbm>> -> memref<4x128xi32, #tpu.memory_space<hbm>>
      %dma_start3A_180 = arith.constant 0 : i32
      %dma_start3A_181 = tpu.memref_slice %arg3[%multiple_of3A, %dma_start3A_180] : memref<128x128xi32, #tpu.memory_space<hbm>> -> memref<4x128xi32, #tpu.memory_space<hbm>>
      tpu.enqueue_dma source(%dma_start3A_181 : memref<4x128xi32, #tpu.memory_space<hbm>>) target(%arg9 : memref<4x128xi32, #tpu.memory_space<vmem>>) target_semaphore(%run_scoped3A : memref<!tpu.dma_semaphore, #tpu.memory_space<semaphore_mem>>)
      %dma_wait3A_182 = arith.constant 0 : i32
      %dma_wait3A_183 = tpu.memref_slice %arg3[%multiple_of3A, %dma_wait3A_182] : memref<128x128xi32, #tpu.memory_space<hbm>> -> memref<4x128xi32, #tpu.memory_space<hbm>>
      %dma_wait3A_184 = arith.constant 0 : i32
      %dma_wait3A_185 = tpu.memref_slice %arg3[%multiple_of3A, %dma_wait3A_184] : memref<128x128xi32, #tpu.memory_space<hbm>> -> memref<4x128xi32, #tpu.memory_space<hbm>>
      tpu.wait_dma2 semaphore(%run_scoped3A : memref<!tpu.dma_semaphore, #tpu.memory_space<semaphore_mem>>) src(%dma_wait3A_185 : memref<4x128xi32, #tpu.memory_space<hbm>>) dst(%arg9 : memref<4x128xi32, #tpu.memory_space<vmem>>)
      tpu.yield
    }) : () -> ()
    %mul3A_3 = arith.constant 80 : i32
    %mul3A_4 = arith.muli %add3A, %mul3A_3 : i32
    %multiple_of3A_5 = tpu.assume_multiple %mul3A_4, 80 : i32
    "tpu.region"() ({
      %run_scoped3A = tpu.sem_alloc : memref<!tpu.dma_semaphore, #tpu.memory_space<semaphore_mem>>
      %dma_start3A_178 = arith.constant 0 : i32
      %dma_start3A_179 = tpu.memref_slice %arg4[%multiple_of3A_5, %dma_start3A_178] : memref<2560x128xi32, #tpu.memory_space<hbm>> -> memref<80x128xi32, #tpu.memory_space<hbm>>
      %dma_start3A_180 = arith.constant 0 : i32
      %dma_start3A_181 = tpu.memref_slice %arg4[%multiple_of3A_5, %dma_start3A_180] : memref<2560x128xi32, #tpu.memory_space<hbm>> -> memref<80x128xi32, #tpu.memory_space<hbm>>
      tpu.enqueue_dma source(%dma_start3A_181 : memref<80x128xi32, #tpu.memory_space<hbm>>) target(%arg10 : memref<80x128xi32, #tpu.memory_space<vmem>>) target_semaphore(%run_scoped3A : memref<!tpu.dma_semaphore, #tpu.memory_space<semaphore_mem>>)
      %dma_wait3A_182 = arith.constant 0 : i32
      %dma_wait3A_183 = tpu.memref_slice %arg4[%multiple_of3A_5, %dma_wait3A_182] : memref<2560x128xi32, #tpu.memory_space<hbm>> -> memref<80x128xi32, #tpu.memory_space<hbm>>
      %dma_wait3A_184 = arith.constant 0 : i32
      %dma_wait3A_185 = tpu.memref_slice %arg4[%multiple_of3A_5, %dma_wait3A_184] : memref<2560x128xi32, #tpu.memory_space<hbm>> -> memref<80x128xi32, #tpu.memory_space<hbm>>
      tpu.wait_dma2 semaphore(%run_scoped3A : memref<!tpu.dma_semaphore, #tpu.memory_space<semaphore_mem>>) src(%dma_wait3A_185 : memref<80x128xi32, #tpu.memory_space<hbm>>) dst(%arg10 : memref<80x128xi32, #tpu.memory_space<vmem>>)
      tpu.yield
    }) : () -> ()
    %dma_start3A = arith.constant 0 : i32
    %dma_start3A_6 = arith.constant 0 : i32
    %dma_start3A_7 = arith.constant 0 : i32
    %dma_start3A_8 = tpu.memref_slice %arg11[%dma_start3A_6, %dma_start3A_7] : memref<512x64xf32, #tpu.memory_space<vmem>> -> memref<128x64xf32, #tpu.memory_space<vmem>>
    %dma_start3A_9 = arith.constant 0 : i32
    %dma_start3A_10 = tpu.memref_slice %arg8[%dma_start3A, %dma_start3A_9] : memref<4x128xi32, #tpu.memory_space<vmem>> -> memref<1x128xi32, #tpu.memory_space<vmem>>
    %dma_start3A_11 = tpu.memref_squeeze %dma_start3A_10 : memref<1x128xi32, #tpu.memory_space<vmem>> -> memref<128xi32, #tpu.memory_space<vmem>>
    %dma_start3A_12 = arith.constant 0 : i32
    %dma_start3A_13 = arith.constant 0 : i32
    %dma_start3A_14 = tpu.memref_slice %arg5[%dma_start3A_12, %dma_start3A_13] : memref<1000000x64xf32, #tpu.memory_space<hbm>> -> memref<1000000x64xf32, #tpu.memory_space<hbm>>
    tpu.enqueue_indirect_dma source(%dma_start3A_14 : memref<1000000x64xf32, #tpu.memory_space<hbm>>) target(%dma_start3A_8 : memref<128x64xf32, #tpu.memory_space<vmem>>) offsets(%dma_start3A_11 : memref<128xi32, #tpu.memory_space<vmem>>) semaphore(%arg15 : memref<!tpu.dma_semaphore, #tpu.memory_space<semaphore_mem>>)
    %dma_wait3A = arith.constant 0 : i32
    %dma_wait3A_15 = arith.constant 0 : i32
    %dma_wait3A_16 = arith.constant 0 : i32
    %dma_wait3A_17 = tpu.memref_slice %arg11[%dma_wait3A_15, %dma_wait3A_16] : memref<512x64xf32, #tpu.memory_space<vmem>> -> memref<128x64xf32, #tpu.memory_space<vmem>>
    %dma_wait3A_18 = arith.constant 0 : i32
    %dma_wait3A_19 = tpu.memref_slice %arg8[%dma_wait3A, %dma_wait3A_18] : memref<4x128xi32, #tpu.memory_space<vmem>> -> memref<1x128xi32, #tpu.memory_space<vmem>>
    %dma_wait3A_20 = tpu.memref_squeeze %dma_wait3A_19 : memref<1x128xi32, #tpu.memory_space<vmem>> -> memref<128xi32, #tpu.memory_space<vmem>>
    %dma_wait3A_21 = arith.constant 0 : i32
    %dma_wait3A_22 = arith.constant 0 : i32
    %dma_wait3A_23 = tpu.memref_slice %arg5[%dma_wait3A_21, %dma_wait3A_22] : memref<1000000x64xf32, #tpu.memory_space<hbm>> -> memref<1000000x64xf32, #tpu.memory_space<hbm>>
    tpu.wait_indirect_dma semaphore(%arg15 : memref<!tpu.dma_semaphore, #tpu.memory_space<semaphore_mem>>) src(%dma_wait3A_23 : memref<1000000x64xf32, #tpu.memory_space<hbm>>) dst(%dma_wait3A_17 : memref<128x64xf32, #tpu.memory_space<vmem>>)
    %dma_start3A_24 = arith.constant 0 : i32
    %dma_start3A_25 = arith.constant 0 : i32
    %dma_start3A_26 = arith.constant 0 : i32
    %dma_start3A_27 = tpu.memref_slice %arg12[%dma_start3A_25, %dma_start3A_26] : memref<512x64xf32, #tpu.memory_space<vmem>> -> memref<128x64xf32, #tpu.memory_space<vmem>>
    %dma_start3A_28 = arith.constant 0 : i32
    %dma_start3A_29 = tpu.memref_slice %arg9[%dma_start3A_24, %dma_start3A_28] : memref<4x128xi32, #tpu.memory_space<vmem>> -> memref<1x128xi32, #tpu.memory_space<vmem>>
    %dma_start3A_30 = tpu.memref_squeeze %dma_start3A_29 : memref<1x128xi32, #tpu.memory_space<vmem>> -> memref<128xi32, #tpu.memory_space<vmem>>
    %dma_start3A_31 = arith.constant 0 : i32
    %dma_start3A_32 = arith.constant 0 : i32
    %dma_start3A_33 = tpu.memref_slice %arg6[%dma_start3A_31, %dma_start3A_32] : memref<1000000x64xf32, #tpu.memory_space<hbm>> -> memref<1000000x64xf32, #tpu.memory_space<hbm>>
    tpu.enqueue_indirect_dma source(%dma_start3A_33 : memref<1000000x64xf32, #tpu.memory_space<hbm>>) target(%dma_start3A_27 : memref<128x64xf32, #tpu.memory_space<vmem>>) offsets(%dma_start3A_30 : memref<128xi32, #tpu.memory_space<vmem>>) semaphore(%arg15 : memref<!tpu.dma_semaphore, #tpu.memory_space<semaphore_mem>>)
    %dma_wait3A_34 = arith.constant 0 : i32
    %dma_wait3A_35 = arith.constant 0 : i32
    %dma_wait3A_36 = arith.constant 0 : i32
    %dma_wait3A_37 = tpu.memref_slice %arg12[%dma_wait3A_35, %dma_wait3A_36] : memref<512x64xf32, #tpu.memory_space<vmem>> -> memref<128x64xf32, #tpu.memory_space<vmem>>
    %dma_wait3A_38 = arith.constant 0 : i32
    %dma_wait3A_39 = tpu.memref_slice %arg9[%dma_wait3A_34, %dma_wait3A_38] : memref<4x128xi32, #tpu.memory_space<vmem>> -> memref<1x128xi32, #tpu.memory_space<vmem>>
    %dma_wait3A_40 = tpu.memref_squeeze %dma_wait3A_39 : memref<1x128xi32, #tpu.memory_space<vmem>> -> memref<128xi32, #tpu.memory_space<vmem>>
    %dma_wait3A_41 = arith.constant 0 : i32
    %dma_wait3A_42 = arith.constant 0 : i32
    %dma_wait3A_43 = tpu.memref_slice %arg6[%dma_wait3A_41, %dma_wait3A_42] : memref<1000000x64xf32, #tpu.memory_space<hbm>> -> memref<1000000x64xf32, #tpu.memory_space<hbm>>
    tpu.wait_indirect_dma semaphore(%arg15 : memref<!tpu.dma_semaphore, #tpu.memory_space<semaphore_mem>>) src(%dma_wait3A_43 : memref<1000000x64xf32, #tpu.memory_space<hbm>>) dst(%dma_wait3A_37 : memref<128x64xf32, #tpu.memory_space<vmem>>)
    %dma_start3A_44 = arith.constant 1 : i32
    %dma_start3A_45 = arith.constant 128 : i32
    %dma_start3A_46 = arith.constant 0 : i32
    %dma_start3A_47 = tpu.memref_slice %arg11[%dma_start3A_45, %dma_start3A_46] : memref<512x64xf32, #tpu.memory_space<vmem>> -> memref<128x64xf32, #tpu.memory_space<vmem>>
    %dma_start3A_48 = arith.constant 0 : i32
    %dma_start3A_49 = tpu.memref_slice %arg8[%dma_start3A_44, %dma_start3A_48] : memref<4x128xi32, #tpu.memory_space<vmem>> -> memref<1x128xi32, #tpu.memory_space<vmem>>
    %dma_start3A_50 = tpu.memref_squeeze %dma_start3A_49 : memref<1x128xi32, #tpu.memory_space<vmem>> -> memref<128xi32, #tpu.memory_space<vmem>>
    %dma_start3A_51 = arith.constant 0 : i32
    %dma_start3A_52 = arith.constant 0 : i32
    %dma_start3A_53 = tpu.memref_slice %arg5[%dma_start3A_51, %dma_start3A_52] : memref<1000000x64xf32, #tpu.memory_space<hbm>> -> memref<1000000x64xf32, #tpu.memory_space<hbm>>
    tpu.enqueue_indirect_dma source(%dma_start3A_53 : memref<1000000x64xf32, #tpu.memory_space<hbm>>) target(%dma_start3A_47 : memref<128x64xf32, #tpu.memory_space<vmem>>) offsets(%dma_start3A_50 : memref<128xi32, #tpu.memory_space<vmem>>) semaphore(%arg15 : memref<!tpu.dma_semaphore, #tpu.memory_space<semaphore_mem>>)
    %dma_wait3A_54 = arith.constant 1 : i32
    %dma_wait3A_55 = arith.constant 128 : i32
    %dma_wait3A_56 = arith.constant 0 : i32
    %dma_wait3A_57 = tpu.memref_slice %arg11[%dma_wait3A_55, %dma_wait3A_56] : memref<512x64xf32, #tpu.memory_space<vmem>> -> memref<128x64xf32, #tpu.memory_space<vmem>>
    %dma_wait3A_58 = arith.constant 0 : i32
    %dma_wait3A_59 = tpu.memref_slice %arg8[%dma_wait3A_54, %dma_wait3A_58] : memref<4x128xi32, #tpu.memory_space<vmem>> -> memref<1x128xi32, #tpu.memory_space<vmem>>
    %dma_wait3A_60 = tpu.memref_squeeze %dma_wait3A_59 : memref<1x128xi32, #tpu.memory_space<vmem>> -> memref<128xi32, #tpu.memory_space<vmem>>
    %dma_wait3A_61 = arith.constant 0 : i32
    %dma_wait3A_62 = arith.constant 0 : i32
    %dma_wait3A_63 = tpu.memref_slice %arg5[%dma_wait3A_61, %dma_wait3A_62] : memref<1000000x64xf32, #tpu.memory_space<hbm>> -> memref<1000000x64xf32, #tpu.memory_space<hbm>>
    tpu.wait_indirect_dma semaphore(%arg15 : memref<!tpu.dma_semaphore, #tpu.memory_space<semaphore_mem>>) src(%dma_wait3A_63 : memref<1000000x64xf32, #tpu.memory_space<hbm>>) dst(%dma_wait3A_57 : memref<128x64xf32, #tpu.memory_space<vmem>>)
    %dma_start3A_64 = arith.constant 1 : i32
    %dma_start3A_65 = arith.constant 128 : i32
    %dma_start3A_66 = arith.constant 0 : i32
    %dma_start3A_67 = tpu.memref_slice %arg12[%dma_start3A_65, %dma_start3A_66] : memref<512x64xf32, #tpu.memory_space<vmem>> -> memref<128x64xf32, #tpu.memory_space<vmem>>
    %dma_start3A_68 = arith.constant 0 : i32
    %dma_start3A_69 = tpu.memref_slice %arg9[%dma_start3A_64, %dma_start3A_68] : memref<4x128xi32, #tpu.memory_space<vmem>> -> memref<1x128xi32, #tpu.memory_space<vmem>>
    %dma_start3A_70 = tpu.memref_squeeze %dma_start3A_69 : memref<1x128xi32, #tpu.memory_space<vmem>> -> memref<128xi32, #tpu.memory_space<vmem>>
    %dma_start3A_71 = arith.constant 0 : i32
    %dma_start3A_72 = arith.constant 0 : i32
    %dma_start3A_73 = tpu.memref_slice %arg6[%dma_start3A_71, %dma_start3A_72] : memref<1000000x64xf32, #tpu.memory_space<hbm>> -> memref<1000000x64xf32, #tpu.memory_space<hbm>>
    tpu.enqueue_indirect_dma source(%dma_start3A_73 : memref<1000000x64xf32, #tpu.memory_space<hbm>>) target(%dma_start3A_67 : memref<128x64xf32, #tpu.memory_space<vmem>>) offsets(%dma_start3A_70 : memref<128xi32, #tpu.memory_space<vmem>>) semaphore(%arg15 : memref<!tpu.dma_semaphore, #tpu.memory_space<semaphore_mem>>)
    %dma_wait3A_74 = arith.constant 1 : i32
    %dma_wait3A_75 = arith.constant 128 : i32
    %dma_wait3A_76 = arith.constant 0 : i32
    %dma_wait3A_77 = tpu.memref_slice %arg12[%dma_wait3A_75, %dma_wait3A_76] : memref<512x64xf32, #tpu.memory_space<vmem>> -> memref<128x64xf32, #tpu.memory_space<vmem>>
    %dma_wait3A_78 = arith.constant 0 : i32
    %dma_wait3A_79 = tpu.memref_slice %arg9[%dma_wait3A_74, %dma_wait3A_78] : memref<4x128xi32, #tpu.memory_space<vmem>> -> memref<1x128xi32, #tpu.memory_space<vmem>>
    %dma_wait3A_80 = tpu.memref_squeeze %dma_wait3A_79 : memref<1x128xi32, #tpu.memory_space<vmem>> -> memref<128xi32, #tpu.memory_space<vmem>>
    %dma_wait3A_81 = arith.constant 0 : i32
    %dma_wait3A_82 = arith.constant 0 : i32
    %dma_wait3A_83 = tpu.memref_slice %arg6[%dma_wait3A_81, %dma_wait3A_82] : memref<1000000x64xf32, #tpu.memory_space<hbm>> -> memref<1000000x64xf32, #tpu.memory_space<hbm>>
    tpu.wait_indirect_dma semaphore(%arg15 : memref<!tpu.dma_semaphore, #tpu.memory_space<semaphore_mem>>) src(%dma_wait3A_83 : memref<1000000x64xf32, #tpu.memory_space<hbm>>) dst(%dma_wait3A_77 : memref<128x64xf32, #tpu.memory_space<vmem>>)
    %dma_start3A_84 = arith.constant 2 : i32
    %dma_start3A_85 = arith.constant 256 : i32
    %dma_start3A_86 = arith.constant 0 : i32
    %dma_start3A_87 = tpu.memref_slice %arg11[%dma_start3A_85, %dma_start3A_86] : memref<512x64xf32, #tpu.memory_space<vmem>> -> memref<128x64xf32, #tpu.memory_space<vmem>>
    %dma_start3A_88 = arith.constant 0 : i32
    %dma_start3A_89 = tpu.memref_slice %arg8[%dma_start3A_84, %dma_start3A_88] : memref<4x128xi32, #tpu.memory_space<vmem>> -> memref<1x128xi32, #tpu.memory_space<vmem>>
    %dma_start3A_90 = tpu.memref_squeeze %dma_start3A_89 : memref<1x128xi32, #tpu.memory_space<vmem>> -> memref<128xi32, #tpu.memory_space<vmem>>
    %dma_start3A_91 = arith.constant 0 : i32
    %dma_start3A_92 = arith.constant 0 : i32
    %dma_start3A_93 = tpu.memref_slice %arg5[%dma_start3A_91, %dma_start3A_92] : memref<1000000x64xf32, #tpu.memory_space<hbm>> -> memref<1000000x64xf32, #tpu.memory_space<hbm>>
    tpu.enqueue_indirect_dma source(%dma_start3A_93 : memref<1000000x64xf32, #tpu.memory_space<hbm>>) target(%dma_start3A_87 : memref<128x64xf32, #tpu.memory_space<vmem>>) offsets(%dma_start3A_90 : memref<128xi32, #tpu.memory_space<vmem>>) semaphore(%arg15 : memref<!tpu.dma_semaphore, #tpu.memory_space<semaphore_mem>>)
    %dma_wait3A_94 = arith.constant 2 : i32
    %dma_wait3A_95 = arith.constant 256 : i32
    %dma_wait3A_96 = arith.constant 0 : i32
    %dma_wait3A_97 = tpu.memref_slice %arg11[%dma_wait3A_95, %dma_wait3A_96] : memref<512x64xf32, #tpu.memory_space<vmem>> -> memref<128x64xf32, #tpu.memory_space<vmem>>
    %dma_wait3A_98 = arith.constant 0 : i32
    %dma_wait3A_99 = tpu.memref_slice %arg8[%dma_wait3A_94, %dma_wait3A_98] : memref<4x128xi32, #tpu.memory_space<vmem>> -> memref<1x128xi32, #tpu.memory_space<vmem>>
    %dma_wait3A_100 = tpu.memref_squeeze %dma_wait3A_99 : memref<1x128xi32, #tpu.memory_space<vmem>> -> memref<128xi32, #tpu.memory_space<vmem>>
    %dma_wait3A_101 = arith.constant 0 : i32
    %dma_wait3A_102 = arith.constant 0 : i32
    %dma_wait3A_103 = tpu.memref_slice %arg5[%dma_wait3A_101, %dma_wait3A_102] : memref<1000000x64xf32, #tpu.memory_space<hbm>> -> memref<1000000x64xf32, #tpu.memory_space<hbm>>
    tpu.wait_indirect_dma semaphore(%arg15 : memref<!tpu.dma_semaphore, #tpu.memory_space<semaphore_mem>>) src(%dma_wait3A_103 : memref<1000000x64xf32, #tpu.memory_space<hbm>>) dst(%dma_wait3A_97 : memref<128x64xf32, #tpu.memory_space<vmem>>)
    %dma_start3A_104 = arith.constant 2 : i32
    %dma_start3A_105 = arith.constant 256 : i32
    %dma_start3A_106 = arith.constant 0 : i32
    %dma_start3A_107 = tpu.memref_slice %arg12[%dma_start3A_105, %dma_start3A_106] : memref<512x64xf32, #tpu.memory_space<vmem>> -> memref<128x64xf32, #tpu.memory_space<vmem>>
    %dma_start3A_108 = arith.constant 0 : i32
    %dma_start3A_109 = tpu.memref_slice %arg9[%dma_start3A_104, %dma_start3A_108] : memref<4x128xi32, #tpu.memory_space<vmem>> -> memref<1x128xi32, #tpu.memory_space<vmem>>
    %dma_start3A_110 = tpu.memref_squeeze %dma_start3A_109 : memref<1x128xi32, #tpu.memory_space<vmem>> -> memref<128xi32, #tpu.memory_space<vmem>>
    %dma_start3A_111 = arith.constant 0 : i32
    %dma_start3A_112 = arith.constant 0 : i32
    %dma_start3A_113 = tpu.memref_slice %arg6[%dma_start3A_111, %dma_start3A_112] : memref<1000000x64xf32, #tpu.memory_space<hbm>> -> memref<1000000x64xf32, #tpu.memory_space<hbm>>
    tpu.enqueue_indirect_dma source(%dma_start3A_113 : memref<1000000x64xf32, #tpu.memory_space<hbm>>) target(%dma_start3A_107 : memref<128x64xf32, #tpu.memory_space<vmem>>) offsets(%dma_start3A_110 : memref<128xi32, #tpu.memory_space<vmem>>) semaphore(%arg15 : memref<!tpu.dma_semaphore, #tpu.memory_space<semaphore_mem>>)
    %dma_wait3A_114 = arith.constant 2 : i32
    %dma_wait3A_115 = arith.constant 256 : i32
    %dma_wait3A_116 = arith.constant 0 : i32
    %dma_wait3A_117 = tpu.memref_slice %arg12[%dma_wait3A_115, %dma_wait3A_116] : memref<512x64xf32, #tpu.memory_space<vmem>> -> memref<128x64xf32, #tpu.memory_space<vmem>>
    %dma_wait3A_118 = arith.constant 0 : i32
    %dma_wait3A_119 = tpu.memref_slice %arg9[%dma_wait3A_114, %dma_wait3A_118] : memref<4x128xi32, #tpu.memory_space<vmem>> -> memref<1x128xi32, #tpu.memory_space<vmem>>
    %dma_wait3A_120 = tpu.memref_squeeze %dma_wait3A_119 : memref<1x128xi32, #tpu.memory_space<vmem>> -> memref<128xi32, #tpu.memory_space<vmem>>
    %dma_wait3A_121 = arith.constant 0 : i32
    %dma_wait3A_122 = arith.constant 0 : i32
    %dma_wait3A_123 = tpu.memref_slice %arg6[%dma_wait3A_121, %dma_wait3A_122] : memref<1000000x64xf32, #tpu.memory_space<hbm>> -> memref<1000000x64xf32, #tpu.memory_space<hbm>>
    tpu.wait_indirect_dma semaphore(%arg15 : memref<!tpu.dma_semaphore, #tpu.memory_space<semaphore_mem>>) src(%dma_wait3A_123 : memref<1000000x64xf32, #tpu.memory_space<hbm>>) dst(%dma_wait3A_117 : memref<128x64xf32, #tpu.memory_space<vmem>>)
    %dma_start3A_124 = arith.constant 3 : i32
    %dma_start3A_125 = arith.constant 384 : i32
    %dma_start3A_126 = arith.constant 0 : i32
    %dma_start3A_127 = tpu.memref_slice %arg11[%dma_start3A_125, %dma_start3A_126] : memref<512x64xf32, #tpu.memory_space<vmem>> -> memref<128x64xf32, #tpu.memory_space<vmem>>
    %dma_start3A_128 = arith.constant 0 : i32
    %dma_start3A_129 = tpu.memref_slice %arg8[%dma_start3A_124, %dma_start3A_128] : memref<4x128xi32, #tpu.memory_space<vmem>> -> memref<1x128xi32, #tpu.memory_space<vmem>>
    %dma_start3A_130 = tpu.memref_squeeze %dma_start3A_129 : memref<1x128xi32, #tpu.memory_space<vmem>> -> memref<128xi32, #tpu.memory_space<vmem>>
    %dma_start3A_131 = arith.constant 0 : i32
    %dma_start3A_132 = arith.constant 0 : i32
    %dma_start3A_133 = tpu.memref_slice %arg5[%dma_start3A_131, %dma_start3A_132] : memref<1000000x64xf32, #tpu.memory_space<hbm>> -> memref<1000000x64xf32, #tpu.memory_space<hbm>>
    tpu.enqueue_indirect_dma source(%dma_start3A_133 : memref<1000000x64xf32, #tpu.memory_space<hbm>>) target(%dma_start3A_127 : memref<128x64xf32, #tpu.memory_space<vmem>>) offsets(%dma_start3A_130 : memref<128xi32, #tpu.memory_space<vmem>>) semaphore(%arg15 : memref<!tpu.dma_semaphore, #tpu.memory_space<semaphore_mem>>)
    %dma_wait3A_134 = arith.constant 3 : i32
    %dma_wait3A_135 = arith.constant 384 : i32
    %dma_wait3A_136 = arith.constant 0 : i32
    %dma_wait3A_137 = tpu.memref_slice %arg11[%dma_wait3A_135, %dma_wait3A_136] : memref<512x64xf32, #tpu.memory_space<vmem>> -> memref<128x64xf32, #tpu.memory_space<vmem>>
    %dma_wait3A_138 = arith.constant 0 : i32
    %dma_wait3A_139 = tpu.memref_slice %arg8[%dma_wait3A_134, %dma_wait3A_138] : memref<4x128xi32, #tpu.memory_space<vmem>> -> memref<1x128xi32, #tpu.memory_space<vmem>>
    %dma_wait3A_140 = tpu.memref_squeeze %dma_wait3A_139 : memref<1x128xi32, #tpu.memory_space<vmem>> -> memref<128xi32, #tpu.memory_space<vmem>>
    %dma_wait3A_141 = arith.constant 0 : i32
    %dma_wait3A_142 = arith.constant 0 : i32
    %dma_wait3A_143 = tpu.memref_slice %arg5[%dma_wait3A_141, %dma_wait3A_142] : memref<1000000x64xf32, #tpu.memory_space<hbm>> -> memref<1000000x64xf32, #tpu.memory_space<hbm>>
    tpu.wait_indirect_dma semaphore(%arg15 : memref<!tpu.dma_semaphore, #tpu.memory_space<semaphore_mem>>) src(%dma_wait3A_143 : memref<1000000x64xf32, #tpu.memory_space<hbm>>) dst(%dma_wait3A_137 : memref<128x64xf32, #tpu.memory_space<vmem>>)
    %dma_start3A_144 = arith.constant 3 : i32
    %dma_start3A_145 = arith.constant 384 : i32
    %dma_start3A_146 = arith.constant 0 : i32
    %dma_start3A_147 = tpu.memref_slice %arg12[%dma_start3A_145, %dma_start3A_146] : memref<512x64xf32, #tpu.memory_space<vmem>> -> memref<128x64xf32, #tpu.memory_space<vmem>>
    %dma_start3A_148 = arith.constant 0 : i32
    %dma_start3A_149 = tpu.memref_slice %arg9[%dma_start3A_144, %dma_start3A_148] : memref<4x128xi32, #tpu.memory_space<vmem>> -> memref<1x128xi32, #tpu.memory_space<vmem>>
    %dma_start3A_150 = tpu.memref_squeeze %dma_start3A_149 : memref<1x128xi32, #tpu.memory_space<vmem>> -> memref<128xi32, #tpu.memory_space<vmem>>
    %dma_start3A_151 = arith.constant 0 : i32
    %dma_start3A_152 = arith.constant 0 : i32
    %dma_start3A_153 = tpu.memref_slice %arg6[%dma_start3A_151, %dma_start3A_152] : memref<1000000x64xf32, #tpu.memory_space<hbm>> -> memref<1000000x64xf32, #tpu.memory_space<hbm>>
    tpu.enqueue_indirect_dma source(%dma_start3A_153 : memref<1000000x64xf32, #tpu.memory_space<hbm>>) target(%dma_start3A_147 : memref<128x64xf32, #tpu.memory_space<vmem>>) offsets(%dma_start3A_150 : memref<128xi32, #tpu.memory_space<vmem>>) semaphore(%arg15 : memref<!tpu.dma_semaphore, #tpu.memory_space<semaphore_mem>>)
    %dma_wait3A_154 = arith.constant 3 : i32
    %dma_wait3A_155 = arith.constant 384 : i32
    %dma_wait3A_156 = arith.constant 0 : i32
    %dma_wait3A_157 = tpu.memref_slice %arg12[%dma_wait3A_155, %dma_wait3A_156] : memref<512x64xf32, #tpu.memory_space<vmem>> -> memref<128x64xf32, #tpu.memory_space<vmem>>
    %dma_wait3A_158 = arith.constant 0 : i32
    %dma_wait3A_159 = tpu.memref_slice %arg9[%dma_wait3A_154, %dma_wait3A_158] : memref<4x128xi32, #tpu.memory_space<vmem>> -> memref<1x128xi32, #tpu.memory_space<vmem>>
    %dma_wait3A_160 = tpu.memref_squeeze %dma_wait3A_159 : memref<1x128xi32, #tpu.memory_space<vmem>> -> memref<128xi32, #tpu.memory_space<vmem>>
    %dma_wait3A_161 = arith.constant 0 : i32
    %dma_wait3A_162 = arith.constant 0 : i32
    %dma_wait3A_163 = tpu.memref_slice %arg6[%dma_wait3A_161, %dma_wait3A_162] : memref<1000000x64xf32, #tpu.memory_space<hbm>> -> memref<1000000x64xf32, #tpu.memory_space<hbm>>
    tpu.wait_indirect_dma semaphore(%arg15 : memref<!tpu.dma_semaphore, #tpu.memory_space<semaphore_mem>>) src(%dma_wait3A_163 : memref<1000000x64xf32, #tpu.memory_space<hbm>>) dst(%dma_wait3A_157 : memref<128x64xf32, #tpu.memory_space<vmem>>)
    %iota3A = tpu.iota {dimensions = array<i32: 0>} : vector<16xi32>
    %lt3A = arith.constant 5 : i32
    %lt3A_164 = vector.broadcast %lt3A : i32 to vector<16xi32>
    %lt3A_165 = arith.cmpi slt, %iota3A, %lt3A_164 : vector<16xi32>
    %jit3A = arith.constant 1.000000e+00 : f32
    %jit3A_166 = arith.constant 0.000000e+00 : f32
    %broadcast_in_dim3A = vector.broadcast %jit3A : f32 to vector<16xf32>
    %broadcast_in_dim3A_167 = vector.broadcast %jit3A_166 : f32 to vector<16xf32>
    %select_n3A = arith.select %lt3A_165, %broadcast_in_dim3A, %broadcast_in_dim3A_167 : vector<16xi1>, vector<16xf32>
    %broadcast_in_dim3A_168 = arith.constant 0.000000e+00 : f32
    %broadcast_in_dim3A_169 = vector.broadcast %broadcast_in_dim3A_168 : f32 to vector<16xf32>
    %scan3A = arith.constant 0 : i32
    %scan3A_170 = arith.constant 0 : i32
    %scan3A_171 = arith.constant 16 : i32
    %scan3A_172 = arith.addi %scan3A_170, %scan3A_171 : i32
    %scan3A_173 = arith.constant 1 : i32
    scf.for %scan3A_178 = %scan3A_170 to %scan3A_172 step %scan3A_173  : i32 {
      %mul3A_179 = arith.constant 5 : i32
      %mul3A_180 = arith.muli %scan3A_178, %mul3A_179 : i32
      %multiple_of3A_181 = tpu.assume_multiple %mul3A_180, 5 : i32
      %add3A_182 = arith.constant 0 : i32
      %add3A_183 = arith.addi %multiple_of3A_181, %add3A_182 : i32
      %dma_start3A_184 = arith.constant 0 : i32
      %dma_start3A_185 = arith.constant 0 : i32
      %dma_start3A_186 = tpu.memref_slice %arg13[%dma_start3A_184, %dma_start3A_185] : memref<640x64xf32, #tpu.memory_space<vmem>> -> memref<128x64xf32, #tpu.memory_space<vmem>>
      %dma_start3A_187 = arith.constant 0 : i32
      %dma_start3A_188 = tpu.memref_slice %arg10[%add3A_183, %dma_start3A_187] : memref<80x128xi32, #tpu.memory_space<vmem>> -> memref<1x128xi32, #tpu.memory_space<vmem>>
      %dma_start3A_189 = tpu.memref_squeeze %dma_start3A_188 : memref<1x128xi32, #tpu.memory_space<vmem>> -> memref<128xi32, #tpu.memory_space<vmem>>
      %dma_start3A_190 = arith.constant 0 : i32
      %dma_start3A_191 = arith.constant 0 : i32
      %dma_start3A_192 = tpu.memref_slice %arg6[%dma_start3A_190, %dma_start3A_191] : memref<1000000x64xf32, #tpu.memory_space<hbm>> -> memref<1000000x64xf32, #tpu.memory_space<hbm>>
      tpu.enqueue_indirect_dma source(%dma_start3A_192 : memref<1000000x64xf32, #tpu.memory_space<hbm>>) target(%dma_start3A_186 : memref<128x64xf32, #tpu.memory_space<vmem>>) offsets(%dma_start3A_189 : memref<128xi32, #tpu.memory_space<vmem>>) semaphore(%arg15 : memref<!tpu.dma_semaphore, #tpu.memory_space<semaphore_mem>>)
      %dma_wait3A_193 = arith.constant 0 : i32
      %dma_wait3A_194 = arith.constant 0 : i32
      %dma_wait3A_195 = tpu.memref_slice %arg13[%dma_wait3A_193, %dma_wait3A_194] : memref<640x64xf32, #tpu.memory_space<vmem>> -> memref<128x64xf32, #tpu.memory_space<vmem>>
      %dma_wait3A_196 = arith.constant 0 : i32
      %dma_wait3A_197 = tpu.memref_slice %arg10[%add3A_183, %dma_wait3A_196] : memref<80x128xi32, #tpu.memory_space<vmem>> -> memref<1x128xi32, #tpu.memory_space<vmem>>
      %dma_wait3A_198 = tpu.memref_squeeze %dma_wait3A_197 : memref<1x128xi32, #tpu.memory_space<vmem>> -> memref<128xi32, #tpu.memory_space<vmem>>
      %dma_wait3A_199 = arith.constant 0 : i32
      %dma_wait3A_200 = arith.constant 0 : i32
      %dma_wait3A_201 = tpu.memref_slice %arg6[%dma_wait3A_199, %dma_wait3A_200] : memref<1000000x64xf32, #tpu.memory_space<hbm>> -> memref<1000000x64xf32, #tpu.memory_space<hbm>>
      tpu.wait_indirect_dma semaphore(%arg15 : memref<!tpu.dma_semaphore, #tpu.memory_space<semaphore_mem>>) src(%dma_wait3A_201 : memref<1000000x64xf32, #tpu.memory_space<hbm>>) dst(%dma_wait3A_195 : memref<128x64xf32, #tpu.memory_space<vmem>>)
      %add3A_202 = arith.constant 1 : i32
      %add3A_203 = arith.addi %multiple_of3A_181, %add3A_202 : i32
      %dma_start3A_204 = arith.constant 128 : i32
      %dma_start3A_205 = arith.constant 0 : i32
      %dma_start3A_206 = tpu.memref_slice %arg13[%dma_start3A_204, %dma_start3A_205] : memref<640x64xf32, #tpu.memory_space<vmem>> -> memref<128x64xf32, #tpu.memory_space<vmem>>
      %dma_start3A_207 = arith.constant 0 : i32
      %dma_start3A_208 = tpu.memref_slice %arg10[%add3A_203, %dma_start3A_207] : memref<80x128xi32, #tpu.memory_space<vmem>> -> memref<1x128xi32, #tpu.memory_space<vmem>>
      %dma_start3A_209 = tpu.memref_squeeze %dma_start3A_208 : memref<1x128xi32, #tpu.memory_space<vmem>> -> memref<128xi32, #tpu.memory_space<vmem>>
      %dma_start3A_210 = arith.constant 0 : i32
      %dma_start3A_211 = arith.constant 0 : i32
      %dma_start3A_212 = tpu.memref_slice %arg6[%dma_start3A_210, %dma_start3A_211] : memref<1000000x64xf32, #tpu.memory_space<hbm>> -> memref<1000000x64xf32, #tpu.memory_space<hbm>>
      tpu.enqueue_indirect_dma source(%dma_start3A_212 : memref<1000000x64xf32, #tpu.memory_space<hbm>>) target(%dma_start3A_206 : memref<128x64xf32, #tpu.memory_space<vmem>>) offsets(%dma_start3A_209 : memref<128xi32, #tpu.memory_space<vmem>>) semaphore(%arg15 : memref<!tpu.dma_semaphore, #tpu.memory_space<semaphore_mem>>)
      %dma_wait3A_213 = arith.constant 128 : i32
      %dma_wait3A_214 = arith.constant 0 : i32
      %dma_wait3A_215 = tpu.memref_slice %arg13[%dma_wait3A_213, %dma_wait3A_214] : memref<640x64xf32, #tpu.memory_space<vmem>> -> memref<128x64xf32, #tpu.memory_space<vmem>>
      %dma_wait3A_216 = arith.constant 0 : i32
      %dma_wait3A_217 = tpu.memref_slice %arg10[%add3A_203, %dma_wait3A_216] : memref<80x128xi32, #tpu.memory_space<vmem>> -> memref<1x128xi32, #tpu.memory_space<vmem>>
      %dma_wait3A_218 = tpu.memref_squeeze %dma_wait3A_217 : memref<1x128xi32, #tpu.memory_space<vmem>> -> memref<128xi32, #tpu.memory_space<vmem>>
      %dma_wait3A_219 = arith.constant 0 : i32
      %dma_wait3A_220 = arith.constant 0 : i32
      %dma_wait3A_221 = tpu.memref_slice %arg6[%dma_wait3A_219, %dma_wait3A_220] : memref<1000000x64xf32, #tpu.memory_space<hbm>> -> memref<1000000x64xf32, #tpu.memory_space<hbm>>
      tpu.wait_indirect_dma semaphore(%arg15 : memref<!tpu.dma_semaphore, #tpu.memory_space<semaphore_mem>>) src(%dma_wait3A_221 : memref<1000000x64xf32, #tpu.memory_space<hbm>>) dst(%dma_wait3A_215 : memref<128x64xf32, #tpu.memory_space<vmem>>)
      %add3A_222 = arith.constant 2 : i32
      %add3A_223 = arith.addi %multiple_of3A_181, %add3A_222 : i32
      %dma_start3A_224 = arith.constant 256 : i32
      %dma_start3A_225 = arith.constant 0 : i32
      %dma_start3A_226 = tpu.memref_slice %arg13[%dma_start3A_224, %dma_start3A_225] : memref<640x64xf32, #tpu.memory_space<vmem>> -> memref<128x64xf32, #tpu.memory_space<vmem>>
      %dma_start3A_227 = arith.constant 0 : i32
      %dma_start3A_228 = tpu.memref_slice %arg10[%add3A_223, %dma_start3A_227] : memref<80x128xi32, #tpu.memory_space<vmem>> -> memref<1x128xi32, #tpu.memory_space<vmem>>
      %dma_start3A_229 = tpu.memref_squeeze %dma_start3A_228 : memref<1x128xi32, #tpu.memory_space<vmem>> -> memref<128xi32, #tpu.memory_space<vmem>>
      %dma_start3A_230 = arith.constant 0 : i32
      %dma_start3A_231 = arith.constant 0 : i32
      %dma_start3A_232 = tpu.memref_slice %arg6[%dma_start3A_230, %dma_start3A_231] : memref<1000000x64xf32, #tpu.memory_space<hbm>> -> memref<1000000x64xf32, #tpu.memory_space<hbm>>
      tpu.enqueue_indirect_dma source(%dma_start3A_232 : memref<1000000x64xf32, #tpu.memory_space<hbm>>) target(%dma_start3A_226 : memref<128x64xf32, #tpu.memory_space<vmem>>) offsets(%dma_start3A_229 : memref<128xi32, #tpu.memory_space<vmem>>) semaphore(%arg15 : memref<!tpu.dma_semaphore, #tpu.memory_space<semaphore_mem>>)
      %dma_wait3A_233 = arith.constant 256 : i32
      %dma_wait3A_234 = arith.constant 0 : i32
      %dma_wait3A_235 = tpu.memref_slice %arg13[%dma_wait3A_233, %dma_wait3A_234] : memref<640x64xf32, #tpu.memory_space<vmem>> -> memref<128x64xf32, #tpu.memory_space<vmem>>
      %dma_wait3A_236 = arith.constant 0 : i32
      %dma_wait3A_237 = tpu.memref_slice %arg10[%add3A_223, %dma_wait3A_236] : memref<80x128xi32, #tpu.memory_space<vmem>> -> memref<1x128xi32, #tpu.memory_space<vmem>>
      %dma_wait3A_238 = tpu.memref_squeeze %dma_wait3A_237 : memref<1x128xi32, #tpu.memory_space<vmem>> -> memref<128xi32, #tpu.memory_space<vmem>>
      %dma_wait3A_239 = arith.constant 0 : i32
      %dma_wait3A_240 = arith.constant 0 : i32
      %dma_wait3A_241 = tpu.memref_slice %arg6[%dma_wait3A_239, %dma_wait3A_240] : memref<1000000x64xf32, #tpu.memory_space<hbm>> -> memref<1000000x64xf32, #tpu.memory_space<hbm>>
      tpu.wait_indirect_dma semaphore(%arg15 : memref<!tpu.dma_semaphore, #tpu.memory_space<semaphore_mem>>) src(%dma_wait3A_241 : memref<1000000x64xf32, #tpu.memory_space<hbm>>) dst(%dma_wait3A_235 : memref<128x64xf32, #tpu.memory_space<vmem>>)
      %add3A_242 = arith.constant 3 : i32
      %add3A_243 = arith.addi %multiple_of3A_181, %add3A_242 : i32
      %dma_start3A_244 = arith.constant 384 : i32
      %dma_start3A_245 = arith.constant 0 : i32
      %dma_start3A_246 = tpu.memref_slice %arg13[%dma_start3A_244, %dma_start3A_245] : memref<640x64xf32, #tpu.memory_space<vmem>> -> memref<128x64xf32, #tpu.memory_space<vmem>>
      %dma_start3A_247 = arith.constant 0 : i32
      %dma_start3A_248 = tpu.memref_slice %arg10[%add3A_243, %dma_start3A_247] : memref<80x128xi32, #tpu.memory_space<vmem>> -> memref<1x128xi32, #tpu.memory_space<vmem>>
      %dma_start3A_249 = tpu.memref_squeeze %dma_start3A_248 : memref<1x128xi32, #tpu.memory_space<vmem>> -> memref<128xi32, #tpu.memory_space<vmem>>
      %dma_start3A_250 = arith.constant 0 : i32
      %dma_start3A_251 = arith.constant 0 : i32
      %dma_start3A_252 = tpu.memref_slice %arg6[%dma_start3A_250, %dma_start3A_251] : memref<1000000x64xf32, #tpu.memory_space<hbm>> -> memref<1000000x64xf32, #tpu.memory_space<hbm>>
      tpu.enqueue_indirect_dma source(%dma_start3A_252 : memref<1000000x64xf32, #tpu.memory_space<hbm>>) target(%dma_start3A_246 : memref<128x64xf32, #tpu.memory_space<vmem>>) offsets(%dma_start3A_249 : memref<128xi32, #tpu.memory_space<vmem>>) semaphore(%arg15 : memref<!tpu.dma_semaphore, #tpu.memory_space<semaphore_mem>>)
      %dma_wait3A_253 = arith.constant 384 : i32
      %dma_wait3A_254 = arith.constant 0 : i32
      %dma_wait3A_255 = tpu.memref_slice %arg13[%dma_wait3A_253, %dma_wait3A_254] : memref<640x64xf32, #tpu.memory_space<vmem>> -> memref<128x64xf32, #tpu.memory_space<vmem>>
      %dma_wait3A_256 = arith.constant 0 : i32
      %dma_wait3A_257 = tpu.memref_slice %arg10[%add3A_243, %dma_wait3A_256] : memref<80x128xi32, #tpu.memory_space<vmem>> -> memref<1x128xi32, #tpu.memory_space<vmem>>
      %dma_wait3A_258 = tpu.memref_squeeze %dma_wait3A_257 : memref<1x128xi32, #tpu.memory_space<vmem>> -> memref<128xi32, #tpu.memory_space<vmem>>
      %dma_wait3A_259 = arith.constant 0 : i32
      %dma_wait3A_260 = arith.constant 0 : i32
      %dma_wait3A_261 = tpu.memref_slice %arg6[%dma_wait3A_259, %dma_wait3A_260] : memref<1000000x64xf32, #tpu.memory_space<hbm>> -> memref<1000000x64xf32, #tpu.memory_space<hbm>>
      tpu.wait_indirect_dma semaphore(%arg15 : memref<!tpu.dma_semaphore, #tpu.memory_space<semaphore_mem>>) src(%dma_wait3A_261 : memref<1000000x64xf32, #tpu.memory_space<hbm>>) dst(%dma_wait3A_255 : memref<128x64xf32, #tpu.memory_space<vmem>>)
      %add3A_262 = arith.constant 4 : i32
      %add3A_263 = arith.addi %multiple_of3A_181, %add3A_262 : i32
      %dma_start3A_264 = arith.constant 512 : i32
      %dma_start3A_265 = arith.constant 0 : i32
      %dma_start3A_266 = tpu.memref_slice %arg13[%dma_start3A_264, %dma_start3A_265] : memref<640x64xf32, #tpu.memory_space<vmem>> -> memref<128x64xf32, #tpu.memory_space<vmem>>
      %dma_start3A_267 = arith.constant 0 : i32
      %dma_start3A_268 = tpu.memref_slice %arg10[%add3A_263, %dma_start3A_267] : memref<80x128xi32, #tpu.memory_space<vmem>> -> memref<1x128xi32, #tpu.memory_space<vmem>>
      %dma_start3A_269 = tpu.memref_squeeze %dma_start3A_268 : memref<1x128xi32, #tpu.memory_space<vmem>> -> memref<128xi32, #tpu.memory_space<vmem>>
      %dma_start3A_270 = arith.constant 0 : i32
      %dma_start3A_271 = arith.constant 0 : i32
      %dma_start3A_272 = tpu.memref_slice %arg6[%dma_start3A_270, %dma_start3A_271] : memref<1000000x64xf32, #tpu.memory_space<hbm>> -> memref<1000000x64xf32, #tpu.memory_space<hbm>>
      tpu.enqueue_indirect_dma source(%dma_start3A_272 : memref<1000000x64xf32, #tpu.memory_space<hbm>>) target(%dma_start3A_266 : memref<128x64xf32, #tpu.memory_space<vmem>>) offsets(%dma_start3A_269 : memref<128xi32, #tpu.memory_space<vmem>>) semaphore(%arg15 : memref<!tpu.dma_semaphore, #tpu.memory_space<semaphore_mem>>)
      %dma_wait3A_273 = arith.constant 512 : i32
      %dma_wait3A_274 = arith.constant 0 : i32
      %dma_wait3A_275 = tpu.memref_slice %arg13[%dma_wait3A_273, %dma_wait3A_274] : memref<640x64xf32, #tpu.memory_space<vmem>> -> memref<128x64xf32, #tpu.memory_space<vmem>>
      %dma_wait3A_276 = arith.constant 0 : i32
      %dma_wait3A_277 = tpu.memref_slice %arg10[%add3A_263, %dma_wait3A_276] : memref<80x128xi32, #tpu.memory_space<vmem>> -> memref<1x128xi32, #tpu.memory_space<vmem>>
      %dma_wait3A_278 = tpu.memref_squeeze %dma_wait3A_277 : memref<1x128xi32, #tpu.memory_space<vmem>> -> memref<128xi32, #tpu.memory_space<vmem>>
      %dma_wait3A_279 = arith.constant 0 : i32
      %dma_wait3A_280 = arith.constant 0 : i32
      %dma_wait3A_281 = tpu.memref_slice %arg6[%dma_wait3A_279, %dma_wait3A_280] : memref<1000000x64xf32, #tpu.memory_space<hbm>> -> memref<1000000x64xf32, #tpu.memory_space<hbm>>
      tpu.wait_indirect_dma semaphore(%arg15 : memref<!tpu.dma_semaphore, #tpu.memory_space<semaphore_mem>>) src(%dma_wait3A_281 : memref<1000000x64xf32, #tpu.memory_space<hbm>>) dst(%dma_wait3A_275 : memref<128x64xf32, #tpu.memory_space<vmem>>)
      %scan3A_282 = arith.constant 0 : i32
      %scan3A_283 = arith.constant 32 : i32
      %scan3A_284 = arith.addi %scan3A_282, %scan3A_283 : i32
      %scan3A_285 = arith.constant 1 : i32
      %scan3A_286 = scf.for %scan3A_288 = %scan3A_282 to %scan3A_284 step %scan3A_285 iter_args(%scan3A_289 = %broadcast_in_dim3A_169) -> (vector<16xf32>)  : i32 {
        %mul3A_290 = arith.constant 32 : i32
        %mul3A_291 = arith.muli %scan3A_178, %mul3A_290 : i32
        %add3A_292 = arith.addi %mul3A_291, %scan3A_288 : i32
        %get3A = arith.index_cast %add3A_292 : i32 to index
        %get3A_293 = arith.constant 0 : index
        %get3A_294 = tpu.vector_load %arg11[%get3A, %get3A_293] {strides = array<i32>} : memref<512x64xf32, #tpu.memory_space<vmem>>, vector<16xf32>,
        %get3A_295 = arith.index_cast %add3A_292 : i32 to index
        %get3A_296 = arith.constant 16 : index
        %get3A_297 = tpu.vector_load %arg11[%get3A_295, %get3A_296] {strides = array<i32>} : memref<512x64xf32, #tpu.memory_space<vmem>>, vector<16xf32>,
        %get3A_298 = arith.index_cast %add3A_292 : i32 to index
        %get3A_299 = arith.constant 32 : index
        %get3A_300 = tpu.vector_load %arg11[%get3A_298, %get3A_299] {strides = array<i32>} : memref<512x64xf32, #tpu.memory_space<vmem>>, vector<16xf32>,
        %get3A_301 = arith.index_cast %add3A_292 : i32 to index
        %get3A_302 = arith.constant 48 : index
        %get3A_303 = tpu.vector_load %arg11[%get3A_301, %get3A_302] {strides = array<i32>} : memref<512x64xf32, #tpu.memory_space<vmem>>, vector<16xf32>,
        %get3A_304 = arith.index_cast %add3A_292 : i32 to index
        %get3A_305 = arith.constant 0 : index
        %get3A_306 = tpu.vector_load %arg12[%get3A_304, %get3A_305] {strides = array<i32>} : memref<512x64xf32, #tpu.memory_space<vmem>>, vector<16xf32>,
        %get3A_307 = arith.index_cast %add3A_292 : i32 to index
        %get3A_308 = arith.constant 16 : index
        %get3A_309 = tpu.vector_load %arg12[%get3A_307, %get3A_308] {strides = array<i32>} : memref<512x64xf32, #tpu.memory_space<vmem>>, vector<16xf32>,
        %get3A_310 = arith.index_cast %add3A_292 : i32 to index
        %get3A_311 = arith.constant 32 : index
        %get3A_312 = tpu.vector_load %arg12[%get3A_310, %get3A_311] {strides = array<i32>} : memref<512x64xf32, #tpu.memory_space<vmem>>, vector<16xf32>,
        %get3A_313 = arith.index_cast %add3A_292 : i32 to index
        %get3A_314 = arith.constant 48 : index
        %get3A_315 = tpu.vector_load %arg12[%get3A_313, %get3A_314] {strides = array<i32>} : memref<512x64xf32, #tpu.memory_space<vmem>>, vector<16xf32>,
        %mul3A_316 = arith.mulf %get3A_294, %get3A_306 : vector<16xf32>
        %mul3A_317 = arith.mulf %get3A_297, %get3A_309 : vector<16xf32>
        %add3A_318 = arith.addf %mul3A_316, %mul3A_317 : vector<16xf32>
        %mul3A_319 = arith.mulf %get3A_300, %get3A_312 : vector<16xf32>
        %add3A_320 = arith.addf %add3A_318, %mul3A_319 : vector<16xf32>
        %mul3A_321 = arith.mulf %get3A_303, %get3A_315 : vector<16xf32>
        %add3A_322 = arith.addf %add3A_320, %mul3A_321 : vector<16xf32>
        %reduce_sum3A = arith.constant true
        %reduce_sum3A_323 = vector.broadcast %reduce_sum3A : i1 to vector<16xi1>
        %reduce_sum3A_324 = tpu.scan <sum>, %add3A_322 masked %reduce_sum3A_323 : vector<16xf32>, vector<16xi1> -> vector<16xf32>
        %reduce_sum3A_325 = vector.extract %reduce_sum3A_324[15] : f32 from vector<16xf32>
        %eq3A = arith.constant 0 : i32
        %eq3A_326 = vector.broadcast %eq3A : i32 to vector<16xi32>
        %eq3A_327 = arith.cmpi eq, %iota3A, %eq3A_326 : vector<16xi32>
        %jit3A_328 = arith.constant -4.000000e+00 : f32
        %jit3A_329 = arith.constant 4.000000e+00 : f32
        %max3A = arith.maximumf %jit3A_328, %reduce_sum3A_325 : f32
        %min3A = arith.minimumf %jit3A_329, %max3A : f32
        %neg3A = arith.constant 0.000000e+00 : f32
        %neg3A_330 = arith.subf %neg3A, %min3A : f32
        %broadcast_in_dim3A_331 = vector.broadcast %neg3A_330 : f32 to vector<16xf32>
        %select_n3A_332 = arith.select %eq3A_327, %broadcast_in_dim3A_331, %broadcast_in_dim3A_169 : vector<16xi1>, vector<16xf32>
        %mul3A_333 = arith.constant 20 : i32
        %mul3A_334 = arith.muli %scan3A_288, %mul3A_333 : i32
        %add3A_335 = arith.constant 0 : i32
        %add3A_336 = arith.addi %mul3A_334, %add3A_335 : i32
        %get3A_337 = arith.index_cast %add3A_336 : i32 to index
        %get3A_338 = arith.constant 0 : index
        %get3A_339 = tpu.vector_load %arg13[%get3A_337, %get3A_338] {strides = array<i32>} : memref<640x64xf32, #tpu.memory_space<vmem>>, vector<16xf32>,
        %get3A_340 = arith.index_cast %add3A_336 : i32 to index
        %get3A_341 = arith.constant 16 : index
        %get3A_342 = tpu.vector_load %arg13[%get3A_340, %get3A_341] {strides = array<i32>} : memref<640x64xf32, #tpu.memory_space<vmem>>, vector<16xf32>,
        %get3A_343 = arith.index_cast %add3A_336 : i32 to index
        %get3A_344 = arith.constant 32 : index
        %get3A_345 = tpu.vector_load %arg13[%get3A_343, %get3A_344] {strides = array<i32>} : memref<640x64xf32, #tpu.memory_space<vmem>>, vector<16xf32>,
        %get3A_346 = arith.index_cast %add3A_336 : i32 to index
        %get3A_347 = arith.constant 48 : index
        %get3A_348 = tpu.vector_load %arg13[%get3A_346, %get3A_347] {strides = array<i32>} : memref<640x64xf32, #tpu.memory_space<vmem>>, vector<16xf32>,
        %mul3A_349 = arith.mulf %get3A_294, %get3A_339 : vector<16xf32>
        %mul3A_350 = arith.mulf %get3A_297, %get3A_342 : vector<16xf32>
        %add3A_351 = arith.addf %mul3A_349, %mul3A_350 : vector<16xf32>
        %mul3A_352 = arith.mulf %get3A_300, %get3A_345 : vector<16xf32>
        %add3A_353 = arith.addf %add3A_351, %mul3A_352 : vector<16xf32>
        %mul3A_354 = arith.mulf %get3A_303, %get3A_348 : vector<16xf32>
        %add3A_355 = arith.addf %add3A_353, %mul3A_354 : vector<16xf32>
        %reduce_sum3A_356 = arith.constant true
        %reduce_sum3A_357 = vector.broadcast %reduce_sum3A_356 : i1 to vector<16xi1>
        %reduce_sum3A_358 = tpu.scan <sum>, %add3A_355 masked %reduce_sum3A_357 : vector<16xf32>, vector<16xi1> -> vector<16xf32>
        %reduce_sum3A_359 = vector.extract %reduce_sum3A_358[15] : f32 from vector<16xf32>
        %jit3A_360 = arith.constant -4.000000e+00 : f32
        %jit3A_361 = arith.constant 4.000000e+00 : f32
        %max3A_362 = arith.maximumf %jit3A_360, %reduce_sum3A_359 : f32
        %min3A_363 = arith.minimumf %jit3A_361, %max3A_362 : f32
        %eq3A_364 = arith.constant 1 : i32
        %eq3A_365 = vector.broadcast %eq3A_364 : i32 to vector<16xi32>
        %eq3A_366 = arith.cmpi eq, %iota3A, %eq3A_365 : vector<16xi32>
        %broadcast_in_dim3A_367 = vector.broadcast %min3A_363 : f32 to vector<16xf32>
        %select_n3A_368 = arith.select %eq3A_366, %broadcast_in_dim3A_367, %select_n3A_332 : vector<16xi1>, vector<16xf32>
        %mul3A_369 = arith.constant 20 : i32
        %mul3A_370 = arith.muli %scan3A_288, %mul3A_369 : i32
        %add3A_371 = arith.constant 1 : i32
        %add3A_372 = arith.addi %mul3A_370, %add3A_371 : i32
        %get3A_373 = arith.index_cast %add3A_372 : i32 to index
        %get3A_374 = arith.constant 0 : index
        %get3A_375 = tpu.vector_load %arg13[%get3A_373, %get3A_374] {strides = array<i32>} : memref<640x64xf32, #tpu.memory_space<vmem>>, vector<16xf32>,
        %get3A_376 = arith.index_cast %add3A_372 : i32 to index
        %get3A_377 = arith.constant 16 : index
        %get3A_378 = tpu.vector_load %arg13[%get3A_376, %get3A_377] {strides = array<i32>} : memref<640x64xf32, #tpu.memory_space<vmem>>, vector<16xf32>,
        %get3A_379 = arith.index_cast %add3A_372 : i32 to index
        %get3A_380 = arith.constant 32 : index
        %get3A_381 = tpu.vector_load %arg13[%get3A_379, %get3A_380] {strides = array<i32>} : memref<640x64xf32, #tpu.memory_space<vmem>>, vector<16xf32>,
        %get3A_382 = arith.index_cast %add3A_372 : i32 to index
        %get3A_383 = arith.constant 48 : index
        %get3A_384 = tpu.vector_load %arg13[%get3A_382, %get3A_383] {strides = array<i32>} : memref<640x64xf32, #tpu.memory_space<vmem>>, vector<16xf32>,
        %mul3A_385 = arith.mulf %get3A_294, %get3A_375 : vector<16xf32>
        %mul3A_386 = arith.mulf %get3A_297, %get3A_378 : vector<16xf32>
        %add3A_387 = arith.addf %mul3A_385, %mul3A_386 : vector<16xf32>
        %mul3A_388 = arith.mulf %get3A_300, %get3A_381 : vector<16xf32>
        %add3A_389 = arith.addf %add3A_387, %mul3A_388 : vector<16xf32>
        %mul3A_390 = arith.mulf %get3A_303, %get3A_384 : vector<16xf32>
        %add3A_391 = arith.addf %add3A_389, %mul3A_390 : vector<16xf32>
        %reduce_sum3A_392 = arith.constant true
        %reduce_sum3A_393 = vector.broadcast %reduce_sum3A_392 : i1 to vector<16xi1>
        %reduce_sum3A_394 = tpu.scan <sum>, %add3A_391 masked %reduce_sum3A_393 : vector<16xf32>, vector<16xi1> -> vector<16xf32>
        %reduce_sum3A_395 = vector.extract %reduce_sum3A_394[15] : f32 from vector<16xf32>
        %jit3A_396 = arith.constant -4.000000e+00 : f32
        %jit3A_397 = arith.constant 4.000000e+00 : f32
        %max3A_398 = arith.maximumf %jit3A_396, %reduce_sum3A_395 : f32
        %min3A_399 = arith.minimumf %jit3A_397, %max3A_398 : f32
        %eq3A_400 = arith.constant 2 : i32
        %eq3A_401 = vector.broadcast %eq3A_400 : i32 to vector<16xi32>
        %eq3A_402 = arith.cmpi eq, %iota3A, %eq3A_401 : vector<16xi32>
        %broadcast_in_dim3A_403 = vector.broadcast %min3A_399 : f32 to vector<16xf32>
        %select_n3A_404 = arith.select %eq3A_402, %broadcast_in_dim3A_403, %select_n3A_368 : vector<16xi1>, vector<16xf32>
        %mul3A_405 = arith.constant 20 : i32
        %mul3A_406 = arith.muli %scan3A_288, %mul3A_405 : i32
        %add3A_407 = arith.constant 2 : i32
        %add3A_408 = arith.addi %mul3A_406, %add3A_407 : i32
        %get3A_409 = arith.index_cast %add3A_408 : i32 to index
        %get3A_410 = arith.constant 0 : index
        %get3A_411 = tpu.vector_load %arg13[%get3A_409, %get3A_410] {strides = array<i32>} : memref<640x64xf32, #tpu.memory_space<vmem>>, vector<16xf32>,
        %get3A_412 = arith.index_cast %add3A_408 : i32 to index
        %get3A_413 = arith.constant 16 : index
        %get3A_414 = tpu.vector_load %arg13[%get3A_412, %get3A_413] {strides = array<i32>} : memref<640x64xf32, #tpu.memory_space<vmem>>, vector<16xf32>,
        %get3A_415 = arith.index_cast %add3A_408 : i32 to index
        %get3A_416 = arith.constant 32 : index
        %get3A_417 = tpu.vector_load %arg13[%get3A_415, %get3A_416] {strides = array<i32>} : memref<640x64xf32, #tpu.memory_space<vmem>>, vector<16xf32>,
        %get3A_418 = arith.index_cast %add3A_408 : i32 to index
        %get3A_419 = arith.constant 48 : index
        %get3A_420 = tpu.vector_load %arg13[%get3A_418, %get3A_419] {strides = array<i32>} : memref<640x64xf32, #tpu.memory_space<vmem>>, vector<16xf32>,
        %mul3A_421 = arith.mulf %get3A_294, %get3A_411 : vector<16xf32>
        %mul3A_422 = arith.mulf %get3A_297, %get3A_414 : vector<16xf32>
        %add3A_423 = arith.addf %mul3A_421, %mul3A_422 : vector<16xf32>
        %mul3A_424 = arith.mulf %get3A_300, %get3A_417 : vector<16xf32>
        %add3A_425 = arith.addf %add3A_423, %mul3A_424 : vector<16xf32>
        %mul3A_426 = arith.mulf %get3A_303, %get3A_420 : vector<16xf32>
        %add3A_427 = arith.addf %add3A_425, %mul3A_426 : vector<16xf32>
        %reduce_sum3A_428 = arith.constant true
        %reduce_sum3A_429 = vector.broadcast %reduce_sum3A_428 : i1 to vector<16xi1>
        %reduce_sum3A_430 = tpu.scan <sum>, %add3A_427 masked %reduce_sum3A_429 : vector<16xf32>, vector<16xi1> -> vector<16xf32>
        %reduce_sum3A_431 = vector.extract %reduce_sum3A_430[15] : f32 from vector<16xf32>
        %jit3A_432 = arith.constant -4.000000e+00 : f32
        %jit3A_433 = arith.constant 4.000000e+00 : f32
        %max3A_434 = arith.maximumf %jit3A_432, %reduce_sum3A_431 : f32
        %min3A_435 = arith.minimumf %jit3A_433, %max3A_434 : f32
        %eq3A_436 = arith.constant 3 : i32
        %eq3A_437 = vector.broadcast %eq3A_436 : i32 to vector<16xi32>
        %eq3A_438 = arith.cmpi eq, %iota3A, %eq3A_437 : vector<16xi32>
        %broadcast_in_dim3A_439 = vector.broadcast %min3A_435 : f32 to vector<16xf32>
        %select_n3A_440 = arith.select %eq3A_438, %broadcast_in_dim3A_439, %select_n3A_404 : vector<16xi1>, vector<16xf32>
        %mul3A_441 = arith.constant 20 : i32
        %mul3A_442 = arith.muli %scan3A_288, %mul3A_441 : i32
        %add3A_443 = arith.constant 3 : i32
        %add3A_444 = arith.addi %mul3A_442, %add3A_443 : i32
        %get3A_445 = arith.index_cast %add3A_444 : i32 to index
        %get3A_446 = arith.constant 0 : index
        %get3A_447 = tpu.vector_load %arg13[%get3A_445, %get3A_446] {strides = array<i32>} : memref<640x64xf32, #tpu.memory_space<vmem>>, vector<16xf32>,
        %get3A_448 = arith.index_cast %add3A_444 : i32 to index
        %get3A_449 = arith.constant 16 : index
        %get3A_450 = tpu.vector_load %arg13[%get3A_448, %get3A_449] {strides = array<i32>} : memref<640x64xf32, #tpu.memory_space<vmem>>, vector<16xf32>,
        %get3A_451 = arith.index_cast %add3A_444 : i32 to index
        %get3A_452 = arith.constant 32 : index
        %get3A_453 = tpu.vector_load %arg13[%get3A_451, %get3A_452] {strides = array<i32>} : memref<640x64xf32, #tpu.memory_space<vmem>>, vector<16xf32>,
        %get3A_454 = arith.index_cast %add3A_444 : i32 to index
        %get3A_455 = arith.constant 48 : index
        %get3A_456 = tpu.vector_load %arg13[%get3A_454, %get3A_455] {strides = array<i32>} : memref<640x64xf32, #tpu.memory_space<vmem>>, vector<16xf32>,
        %mul3A_457 = arith.mulf %get3A_294, %get3A_447 : vector<16xf32>
        %mul3A_458 = arith.mulf %get3A_297, %get3A_450 : vector<16xf32>
        %add3A_459 = arith.addf %mul3A_457, %mul3A_458 : vector<16xf32>
        %mul3A_460 = arith.mulf %get3A_300, %get3A_453 : vector<16xf32>
        %add3A_461 = arith.addf %add3A_459, %mul3A_460 : vector<16xf32>
        %mul3A_462 = arith.mulf %get3A_303, %get3A_456 : vector<16xf32>
        %add3A_463 = arith.addf %add3A_461, %mul3A_462 : vector<16xf32>
        %reduce_sum3A_464 = arith.constant true
        %reduce_sum3A_465 = vector.broadcast %reduce_sum3A_464 : i1 to vector<16xi1>
        %reduce_sum3A_466 = tpu.scan <sum>, %add3A_463 masked %reduce_sum3A_465 : vector<16xf32>, vector<16xi1> -> vector<16xf32>
        %reduce_sum3A_467 = vector.extract %reduce_sum3A_466[15] : f32 from vector<16xf32>
        %jit3A_468 = arith.constant -4.000000e+00 : f32
        %jit3A_469 = arith.constant 4.000000e+00 : f32
        %max3A_470 = arith.maximumf %jit3A_468, %reduce_sum3A_467 : f32
        %min3A_471 = arith.minimumf %jit3A_469, %max3A_470 : f32
        %eq3A_472 = arith.constant 4 : i32
        %eq3A_473 = vector.broadcast %eq3A_472 : i32 to vector<16xi32>
        %eq3A_474 = arith.cmpi eq, %iota3A, %eq3A_473 : vector<16xi32>
        %broadcast_in_dim3A_475 = vector.broadcast %min3A_471 : f32 to vector<16xf32>
        %select_n3A_476 = arith.select %eq3A_474, %broadcast_in_dim3A_475, %select_n3A_440 : vector<16xi1>, vector<16xf32>
        %mul3A_477 = arith.constant 20 : i32
        %mul3A_478 = arith.muli %scan3A_288, %mul3A_477 : i32
        %add3A_479 = arith.constant 4 : i32
        %add3A_480 = arith.addi %mul3A_478, %add3A_479 : i32
        %get3A_481 = arith.index_cast %add3A_480 : i32 to index
        %get3A_482 = arith.constant 0 : index
        %get3A_483 = tpu.vector_load %arg13[%get3A_481, %get3A_482] {strides = array<i32>} : memref<640x64xf32, #tpu.memory_space<vmem>>, vector<16xf32>,
        %get3A_484 = arith.index_cast %add3A_480 : i32 to index
        %get3A_485 = arith.constant 16 : index
        %get3A_486 = tpu.vector_load %arg13[%get3A_484, %get3A_485] {strides = array<i32>} : memref<640x64xf32, #tpu.memory_space<vmem>>, vector<16xf32>,
        %get3A_487 = arith.index_cast %add3A_480 : i32 to index
        %get3A_488 = arith.constant 32 : index
        %get3A_489 = tpu.vector_load %arg13[%get3A_487, %get3A_488] {strides = array<i32>} : memref<640x64xf32, #tpu.memory_space<vmem>>, vector<16xf32>,
        %get3A_490 = arith.index_cast %add3A_480 : i32 to index
        %get3A_491 = arith.constant 48 : index
        %get3A_492 = tpu.vector_load %arg13[%get3A_490, %get3A_491] {strides = array<i32>} : memref<640x64xf32, #tpu.memory_space<vmem>>, vector<16xf32>,
        %mul3A_493 = arith.mulf %get3A_294, %get3A_483 : vector<16xf32>
        %mul3A_494 = arith.mulf %get3A_297, %get3A_486 : vector<16xf32>
        %add3A_495 = arith.addf %mul3A_493, %mul3A_494 : vector<16xf32>
        %mul3A_496 = arith.mulf %get3A_300, %get3A_489 : vector<16xf32>
        %add3A_497 = arith.addf %add3A_495, %mul3A_496 : vector<16xf32>
        %mul3A_498 = arith.mulf %get3A_303, %get3A_492 : vector<16xf32>
        %add3A_499 = arith.addf %add3A_497, %mul3A_498 : vector<16xf32>
        %reduce_sum3A_500 = arith.constant true
        %reduce_sum3A_501 = vector.broadcast %reduce_sum3A_500 : i1 to vector<16xi1>
        %reduce_sum3A_502 = tpu.scan <sum>, %add3A_499 masked %reduce_sum3A_501 : vector<16xf32>, vector<16xi1> -> vector<16xf32>
        %reduce_sum3A_503 = vector.extract %reduce_sum3A_502[15] : f32 from vector<16xf32>
        %jit3A_504 = arith.constant -4.000000e+00 : f32
        %jit3A_505 = arith.constant 4.000000e+00 : f32
        %max3A_506 = arith.maximumf %jit3A_504, %reduce_sum3A_503 : f32
        %min3A_507 = arith.minimumf %jit3A_505, %max3A_506 : f32
        %eq3A_508 = arith.constant 5 : i32
        %eq3A_509 = vector.broadcast %eq3A_508 : i32 to vector<16xi32>
        %eq3A_510 = arith.cmpi eq, %iota3A, %eq3A_509 : vector<16xi32>
        %broadcast_in_dim3A_511 = vector.broadcast %min3A_507 : f32 to vector<16xf32>
        %select_n3A_512 = arith.select %eq3A_510, %broadcast_in_dim3A_511, %select_n3A_476 : vector<16xi1>, vector<16xf32>
        %mul3A_513 = arith.constant 20 : i32
        %mul3A_514 = arith.muli %scan3A_288, %mul3A_513 : i32
        %add3A_515 = arith.constant 5 : i32
        %add3A_516 = arith.addi %mul3A_514, %add3A_515 : i32
        %get3A_517 = arith.index_cast %add3A_516 : i32 to index
        %get3A_518 = arith.constant 0 : index
        %get3A_519 = tpu.vector_load %arg13[%get3A_517, %get3A_518] {strides = array<i32>} : memref<640x64xf32, #tpu.memory_space<vmem>>, vector<16xf32>,
        %get3A_520 = arith.index_cast %add3A_516 : i32 to index
        %get3A_521 = arith.constant 16 : index
        %get3A_522 = tpu.vector_load %arg13[%get3A_520, %get3A_521] {strides = array<i32>} : memref<640x64xf32, #tpu.memory_space<vmem>>, vector<16xf32>,
        %get3A_523 = arith.index_cast %add3A_516 : i32 to index
        %get3A_524 = arith.constant 32 : index
        %get3A_525 = tpu.vector_load %arg13[%get3A_523, %get3A_524] {strides = array<i32>} : memref<640x64xf32, #tpu.memory_space<vmem>>, vector<16xf32>,
        %get3A_526 = arith.index_cast %add3A_516 : i32 to index
        %get3A_527 = arith.constant 48 : index
        %get3A_528 = tpu.vector_load %arg13[%get3A_526, %get3A_527] {strides = array<i32>} : memref<640x64xf32, #tpu.memory_space<vmem>>, vector<16xf32>,
        %mul3A_529 = arith.mulf %get3A_294, %get3A_519 : vector<16xf32>
        %mul3A_530 = arith.mulf %get3A_297, %get3A_522 : vector<16xf32>
        %add3A_531 = arith.addf %mul3A_529, %mul3A_530 : vector<16xf32>
        %mul3A_532 = arith.mulf %get3A_300, %get3A_525 : vector<16xf32>
        %add3A_533 = arith.addf %add3A_531, %mul3A_532 : vector<16xf32>
        %mul3A_534 = arith.mulf %get3A_303, %get3A_528 : vector<16xf32>
        %add3A_535 = arith.addf %add3A_533, %mul3A_534 : vector<16xf32>
        %reduce_sum3A_536 = arith.constant true
        %reduce_sum3A_537 = vector.broadcast %reduce_sum3A_536 : i1 to vector<16xi1>
        %reduce_sum3A_538 = tpu.scan <sum>, %add3A_535 masked %reduce_sum3A_537 : vector<16xf32>, vector<16xi1> -> vector<16xf32>
        %reduce_sum3A_539 = vector.extract %reduce_sum3A_538[15] : f32 from vector<16xf32>
        %jit3A_540 = arith.constant -4.000000e+00 : f32
        %jit3A_541 = arith.constant 4.000000e+00 : f32
        %max3A_542 = arith.maximumf %jit3A_540, %reduce_sum3A_539 : f32
        %min3A_543 = arith.minimumf %jit3A_541, %max3A_542 : f32
        %eq3A_544 = arith.constant 6 : i32
        %eq3A_545 = vector.broadcast %eq3A_544 : i32 to vector<16xi32>
        %eq3A_546 = arith.cmpi eq, %iota3A, %eq3A_545 : vector<16xi32>
        %broadcast_in_dim3A_547 = vector.broadcast %min3A_543 : f32 to vector<16xf32>
        %select_n3A_548 = arith.select %eq3A_546, %broadcast_in_dim3A_547, %select_n3A_512 : vector<16xi1>, vector<16xf32>
        %mul3A_549 = arith.constant 20 : i32
        %mul3A_550 = arith.muli %scan3A_288, %mul3A_549 : i32
        %add3A_551 = arith.constant 6 : i32
        %add3A_552 = arith.addi %mul3A_550, %add3A_551 : i32
        %get3A_553 = arith.index_cast %add3A_552 : i32 to index
        %get3A_554 = arith.constant 0 : index
        %get3A_555 = tpu.vector_load %arg13[%get3A_553, %get3A_554] {strides = array<i32>} : memref<640x64xf32, #tpu.memory_space<vmem>>, vector<16xf32>,
        %get3A_556 = arith.index_cast %add3A_552 : i32 to index
        %get3A_557 = arith.constant 16 : index
        %get3A_558 = tpu.vector_load %arg13[%get3A_556, %get3A_557] {strides = array<i32>} : memref<640x64xf32, #tpu.memory_space<vmem>>, vector<16xf32>,
        %get3A_559 = arith.index_cast %add3A_552 : i32 to index
        %get3A_560 = arith.constant 32 : index
        %get3A_561 = tpu.vector_load %arg13[%get3A_559, %get3A_560] {strides = array<i32>} : memref<640x64xf32, #tpu.memory_space<vmem>>, vector<16xf32>,
        %get3A_562 = arith.index_cast %add3A_552 : i32 to index
        %get3A_563 = arith.constant 48 : index
        %get3A_564 = tpu.vector_load %arg13[%get3A_562, %get3A_563] {strides = array<i32>} : memref<640x64xf32, #tpu.memory_space<vmem>>, vector<16xf32>,
        %mul3A_565 = arith.mulf %get3A_294, %get3A_555 : vector<16xf32>
        %mul3A_566 = arith.mulf %get3A_297, %get3A_558 : vector<16xf32>
        %add3A_567 = arith.addf %mul3A_565, %mul3A_566 : vector<16xf32>
        %mul3A_568 = arith.mulf %get3A_300, %get3A_561 : vector<16xf32>
        %add3A_569 = arith.addf %add3A_567, %mul3A_568 : vector<16xf32>
        %mul3A_570 = arith.mulf %get3A_303, %get3A_564 : vector<16xf32>
        %add3A_571 = arith.addf %add3A_569, %mul3A_570 : vector<16xf32>
        %reduce_sum3A_572 = arith.constant true
        %reduce_sum3A_573 = vector.broadcast %reduce_sum3A_572 : i1 to vector<16xi1>
        %reduce_sum3A_574 = tpu.scan <sum>, %add3A_571 masked %reduce_sum3A_573 : vector<16xf32>, vector<16xi1> -> vector<16xf32>
        %reduce_sum3A_575 = vector.extract %reduce_sum3A_574[15] : f32 from vector<16xf32>
        %jit3A_576 = arith.constant -4.000000e+00 : f32
        %jit3A_577 = arith.constant 4.000000e+00 : f32
        %max3A_578 = arith.maximumf %jit3A_576, %reduce_sum3A_575 : f32
        %min3A_579 = arith.minimumf %jit3A_577, %max3A_578 : f32
        %eq3A_580 = arith.constant 7 : i32
        %eq3A_581 = vector.broadcast %eq3A_580 : i32 to vector<16xi32>
        %eq3A_582 = arith.cmpi eq, %iota3A, %eq3A_581 : vector<16xi32>
        %broadcast_in_dim3A_583 = vector.broadcast %min3A_579 : f32 to vector<16xf32>
        %select_n3A_584 = arith.select %eq3A_582, %broadcast_in_dim3A_583, %select_n3A_548 : vector<16xi1>, vector<16xf32>
        %mul3A_585 = arith.constant 20 : i32
        %mul3A_586 = arith.muli %scan3A_288, %mul3A_585 : i32
        %add3A_587 = arith.constant 7 : i32
        %add3A_588 = arith.addi %mul3A_586, %add3A_587 : i32
        %get3A_589 = arith.index_cast %add3A_588 : i32 to index
        %get3A_590 = arith.constant 0 : index
        %get3A_591 = tpu.vector_load %arg13[%get3A_589, %get3A_590] {strides = array<i32>} : memref<640x64xf32, #tpu.memory_space<vmem>>, vector<16xf32>,
        %get3A_592 = arith.index_cast %add3A_588 : i32 to index
        %get3A_593 = arith.constant 16 : index
        %get3A_594 = tpu.vector_load %arg13[%get3A_592, %get3A_593] {strides = array<i32>} : memref<640x64xf32, #tpu.memory_space<vmem>>, vector<16xf32>,
        %get3A_595 = arith.index_cast %add3A_588 : i32 to index
        %get3A_596 = arith.constant 32 : index
        %get3A_597 = tpu.vector_load %arg13[%get3A_595, %get3A_596] {strides = array<i32>} : memref<640x64xf32, #tpu.memory_space<vmem>>, vector<16xf32>,
        %get3A_598 = arith.index_cast %add3A_588 : i32 to index
        %get3A_599 = arith.constant 48 : index
        %get3A_600 = tpu.vector_load %arg13[%get3A_598, %get3A_599] {strides = array<i32>} : memref<640x64xf32, #tpu.memory_space<vmem>>, vector<16xf32>,
        %mul3A_601 = arith.mulf %get3A_294, %get3A_591 : vector<16xf32>
        %mul3A_602 = arith.mulf %get3A_297, %get3A_594 : vector<16xf32>
        %add3A_603 = arith.addf %mul3A_601, %mul3A_602 : vector<16xf32>
        %mul3A_604 = arith.mulf %get3A_300, %get3A_597 : vector<16xf32>
        %add3A_605 = arith.addf %add3A_603, %mul3A_604 : vector<16xf32>
        %mul3A_606 = arith.mulf %get3A_303, %get3A_600 : vector<16xf32>
        %add3A_607 = arith.addf %add3A_605, %mul3A_606 : vector<16xf32>
        %reduce_sum3A_608 = arith.constant true
        %reduce_sum3A_609 = vector.broadcast %reduce_sum3A_608 : i1 to vector<16xi1>
        %reduce_sum3A_610 = tpu.scan <sum>, %add3A_607 masked %reduce_sum3A_609 : vector<16xf32>, vector<16xi1> -> vector<16xf32>
        %reduce_sum3A_611 = vector.extract %reduce_sum3A_610[15] : f32 from vector<16xf32>
        %jit3A_612 = arith.constant -4.000000e+00 : f32
        %jit3A_613 = arith.constant 4.000000e+00 : f32
        %max3A_614 = arith.maximumf %jit3A_612, %reduce_sum3A_611 : f32
        %min3A_615 = arith.minimumf %jit3A_613, %max3A_614 : f32
        %eq3A_616 = arith.constant 8 : i32
        %eq3A_617 = vector.broadcast %eq3A_616 : i32 to vector<16xi32>
        %eq3A_618 = arith.cmpi eq, %iota3A, %eq3A_617 : vector<16xi32>
        %broadcast_in_dim3A_619 = vector.broadcast %min3A_615 : f32 to vector<16xf32>
        %select_n3A_620 = arith.select %eq3A_618, %broadcast_in_dim3A_619, %select_n3A_584 : vector<16xi1>, vector<16xf32>
        %mul3A_621 = arith.constant 20 : i32
        %mul3A_622 = arith.muli %scan3A_288, %mul3A_621 : i32
        %add3A_623 = arith.constant 8 : i32
        %add3A_624 = arith.addi %mul3A_622, %add3A_623 : i32
        %get3A_625 = arith.index_cast %add3A_624 : i32 to index
        %get3A_626 = arith.constant 0 : index
        %get3A_627 = tpu.vector_load %arg13[%get3A_625, %get3A_626] {strides = array<i32>} : memref<640x64xf32, #tpu.memory_space<vmem>>, vector<16xf32>,
        %get3A_628 = arith.index_cast %add3A_624 : i32 to index
        %get3A_629 = arith.constant 16 : index
        %get3A_630 = tpu.vector_load %arg13[%get3A_628, %get3A_629] {strides = array<i32>} : memref<640x64xf32, #tpu.memory_space<vmem>>, vector<16xf32>,
        %get3A_631 = arith.index_cast %add3A_624 : i32 to index
        %get3A_632 = arith.constant 32 : index
        %get3A_633 = tpu.vector_load %arg13[%get3A_631, %get3A_632] {strides = array<i32>} : memref<640x64xf32, #tpu.memory_space<vmem>>, vector<16xf32>,
        %get3A_634 = arith.index_cast %add3A_624 : i32 to index
        %get3A_635 = arith.constant 48 : index
        %get3A_636 = tpu.vector_load %arg13[%get3A_634, %get3A_635] {strides = array<i32>} : memref<640x64xf32, #tpu.memory_space<vmem>>, vector<16xf32>,
        %mul3A_637 = arith.mulf %get3A_294, %get3A_627 : vector<16xf32>
        %mul3A_638 = arith.mulf %get3A_297, %get3A_630 : vector<16xf32>
        %add3A_639 = arith.addf %mul3A_637, %mul3A_638 : vector<16xf32>
        %mul3A_640 = arith.mulf %get3A_300, %get3A_633 : vector<16xf32>
        %add3A_641 = arith.addf %add3A_639, %mul3A_640 : vector<16xf32>
        %mul3A_642 = arith.mulf %get3A_303, %get3A_636 : vector<16xf32>
        %add3A_643 = arith.addf %add3A_641, %mul3A_642 : vector<16xf32>
        %reduce_sum3A_644 = arith.constant true
        %reduce_sum3A_645 = vector.broadcast %reduce_sum3A_644 : i1 to vector<16xi1>
        %reduce_sum3A_646 = tpu.scan <sum>, %add3A_643 masked %reduce_sum3A_645 : vector<16xf32>, vector<16xi1> -> vector<16xf32>
        %reduce_sum3A_647 = vector.extract %reduce_sum3A_646[15] : f32 from vector<16xf32>
        %jit3A_648 = arith.constant -4.000000e+00 : f32
        %jit3A_649 = arith.constant 4.000000e+00 : f32
        %max3A_650 = arith.maximumf %jit3A_648, %reduce_sum3A_647 : f32
        %min3A_651 = arith.minimumf %jit3A_649, %max3A_650 : f32
        %eq3A_652 = arith.constant 9 : i32
        %eq3A_653 = vector.broadcast %eq3A_652 : i32 to vector<16xi32>
        %eq3A_654 = arith.cmpi eq, %iota3A, %eq3A_653 : vector<16xi32>
        %broadcast_in_dim3A_655 = vector.broadcast %min3A_651 : f32 to vector<16xf32>
        %select_n3A_656 = arith.select %eq3A_654, %broadcast_in_dim3A_655, %select_n3A_620 : vector<16xi1>, vector<16xf32>
        %mul3A_657 = arith.constant 20 : i32
        %mul3A_658 = arith.muli %scan3A_288, %mul3A_657 : i32
        %add3A_659 = arith.constant 9 : i32
        %add3A_660 = arith.addi %mul3A_658, %add3A_659 : i32
        %get3A_661 = arith.index_cast %add3A_660 : i32 to index
        %get3A_662 = arith.constant 0 : index
        %get3A_663 = tpu.vector_load %arg13[%get3A_661, %get3A_662] {strides = array<i32>} : memref<640x64xf32, #tpu.memory_space<vmem>>, vector<16xf32>,
        %get3A_664 = arith.index_cast %add3A_660 : i32 to index
        %get3A_665 = arith.constant 16 : index
        %get3A_666 = tpu.vector_load %arg13[%get3A_664, %get3A_665] {strides = array<i32>} : memref<640x64xf32, #tpu.memory_space<vmem>>, vector<16xf32>,
        %get3A_667 = arith.index_cast %add3A_660 : i32 to index
        %get3A_668 = arith.constant 32 : index
        %get3A_669 = tpu.vector_load %arg13[%get3A_667, %get3A_668] {strides = array<i32>} : memref<640x64xf32, #tpu.memory_space<vmem>>, vector<16xf32>,
        %get3A_670 = arith.index_cast %add3A_660 : i32 to index
        %get3A_671 = arith.constant 48 : index
        %get3A_672 = tpu.vector_load %arg13[%get3A_670, %get3A_671] {strides = array<i32>} : memref<640x64xf32, #tpu.memory_space<vmem>>, vector<16xf32>,
        %mul3A_673 = arith.mulf %get3A_294, %get3A_663 : vector<16xf32>
        %mul3A_674 = arith.mulf %get3A_297, %get3A_666 : vector<16xf32>
        %add3A_675 = arith.addf %mul3A_673, %mul3A_674 : vector<16xf32>
        %mul3A_676 = arith.mulf %get3A_300, %get3A_669 : vector<16xf32>
        %add3A_677 = arith.addf %add3A_675, %mul3A_676 : vector<16xf32>
        %mul3A_678 = arith.mulf %get3A_303, %get3A_672 : vector<16xf32>
        %add3A_679 = arith.addf %add3A_677, %mul3A_678 : vector<16xf32>
        %reduce_sum3A_680 = arith.constant true
        %reduce_sum3A_681 = vector.broadcast %reduce_sum3A_680 : i1 to vector<16xi1>
        %reduce_sum3A_682 = tpu.scan <sum>, %add3A_679 masked %reduce_sum3A_681 : vector<16xf32>, vector<16xi1> -> vector<16xf32>
        %reduce_sum3A_683 = vector.extract %reduce_sum3A_682[15] : f32 from vector<16xf32>
        %jit3A_684 = arith.constant -4.000000e+00 : f32
        %jit3A_685 = arith.constant 4.000000e+00 : f32
        %max3A_686 = arith.maximumf %jit3A_684, %reduce_sum3A_683 : f32
        %min3A_687 = arith.minimumf %jit3A_685, %max3A_686 : f32
        %eq3A_688 = arith.constant 10 : i32
        %eq3A_689 = vector.broadcast %eq3A_688 : i32 to vector<16xi32>
        %eq3A_690 = arith.cmpi eq, %iota3A, %eq3A_689 : vector<16xi32>
        %broadcast_in_dim3A_691 = vector.broadcast %min3A_687 : f32 to vector<16xf32>
        %select_n3A_692 = arith.select %eq3A_690, %broadcast_in_dim3A_691, %select_n3A_656 : vector<16xi1>, vector<16xf32>
        %mul3A_693 = arith.constant 20 : i32
        %mul3A_694 = arith.muli %scan3A_288, %mul3A_693 : i32
        %add3A_695 = arith.constant 10 : i32
        %add3A_696 = arith.addi %mul3A_694, %add3A_695 : i32
        %get3A_697 = arith.index_cast %add3A_696 : i32 to index
        %get3A_698 = arith.constant 0 : index
        %get3A_699 = tpu.vector_load %arg13[%get3A_697, %get3A_698] {strides = array<i32>} : memref<640x64xf32, #tpu.memory_space<vmem>>, vector<16xf32>,
        %get3A_700 = arith.index_cast %add3A_696 : i32 to index
        %get3A_701 = arith.constant 16 : index
        %get3A_702 = tpu.vector_load %arg13[%get3A_700, %get3A_701] {strides = array<i32>} : memref<640x64xf32, #tpu.memory_space<vmem>>, vector<16xf32>,
        %get3A_703 = arith.index_cast %add3A_696 : i32 to index
        %get3A_704 = arith.constant 32 : index
        %get3A_705 = tpu.vector_load %arg13[%get3A_703, %get3A_704] {strides = array<i32>} : memref<640x64xf32, #tpu.memory_space<vmem>>, vector<16xf32>,
        %get3A_706 = arith.index_cast %add3A_696 : i32 to index
        %get3A_707 = arith.constant 48 : index
        %get3A_708 = tpu.vector_load %arg13[%get3A_706, %get3A_707] {strides = array<i32>} : memref<640x64xf32, #tpu.memory_space<vmem>>, vector<16xf32>,
        %mul3A_709 = arith.mulf %get3A_294, %get3A_699 : vector<16xf32>
        %mul3A_710 = arith.mulf %get3A_297, %get3A_702 : vector<16xf32>
        %add3A_711 = arith.addf %mul3A_709, %mul3A_710 : vector<16xf32>
        %mul3A_712 = arith.mulf %get3A_300, %get3A_705 : vector<16xf32>
        %add3A_713 = arith.addf %add3A_711, %mul3A_712 : vector<16xf32>
        %mul3A_714 = arith.mulf %get3A_303, %get3A_708 : vector<16xf32>
        %add3A_715 = arith.addf %add3A_713, %mul3A_714 : vector<16xf32>
        %reduce_sum3A_716 = arith.constant true
        %reduce_sum3A_717 = vector.broadcast %reduce_sum3A_716 : i1 to vector<16xi1>
        %reduce_sum3A_718 = tpu.scan <sum>, %add3A_715 masked %reduce_sum3A_717 : vector<16xf32>, vector<16xi1> -> vector<16xf32>
        %reduce_sum3A_719 = vector.extract %reduce_sum3A_718[15] : f32 from vector<16xf32>
        %jit3A_720 = arith.constant -4.000000e+00 : f32
        %jit3A_721 = arith.constant 4.000000e+00 : f32
        %max3A_722 = arith.maximumf %jit3A_720, %reduce_sum3A_719 : f32
        %min3A_723 = arith.minimumf %jit3A_721, %max3A_722 : f32
        %eq3A_724 = arith.constant 11 : i32
        %eq3A_725 = vector.broadcast %eq3A_724 : i32 to vector<16xi32>
        %eq3A_726 = arith.cmpi eq, %iota3A, %eq3A_725 : vector<16xi32>
        %broadcast_in_dim3A_727 = vector.broadcast %min3A_723 : f32 to vector<16xf32>
        %select_n3A_728 = arith.select %eq3A_726, %broadcast_in_dim3A_727, %select_n3A_692 : vector<16xi1>, vector<16xf32>
        %mul3A_729 = arith.constant 20 : i32
        %mul3A_730 = arith.muli %scan3A_288, %mul3A_729 : i32
        %add3A_731 = arith.constant 11 : i32
        %add3A_732 = arith.addi %mul3A_730, %add3A_731 : i32
        %get3A_733 = arith.index_cast %add3A_732 : i32 to index
        %get3A_734 = arith.constant 0 : index
        %get3A_735 = tpu.vector_load %arg13[%get3A_733, %get3A_734] {strides = array<i32>} : memref<640x64xf32, #tpu.memory_space<vmem>>, vector<16xf32>,
        %get3A_736 = arith.index_cast %add3A_732 : i32 to index
        %get3A_737 = arith.constant 16 : index
        %get3A_738 = tpu.vector_load %arg13[%get3A_736, %get3A_737] {strides = array<i32>} : memref<640x64xf32, #tpu.memory_space<vmem>>, vector<16xf32>,
        %get3A_739 = arith.index_cast %add3A_732 : i32 to index
        %get3A_740 = arith.constant 32 : index
        %get3A_741 = tpu.vector_load %arg13[%get3A_739, %get3A_740] {strides = array<i32>} : memref<640x64xf32, #tpu.memory_space<vmem>>, vector<16xf32>,
        %get3A_742 = arith.index_cast %add3A_732 : i32 to index
        %get3A_743 = arith.constant 48 : index
        %get3A_744 = tpu.vector_load %arg13[%get3A_742, %get3A_743] {strides = array<i32>} : memref<640x64xf32, #tpu.memory_space<vmem>>, vector<16xf32>,
        %mul3A_745 = arith.mulf %get3A_294, %get3A_735 : vector<16xf32>
        %mul3A_746 = arith.mulf %get3A_297, %get3A_738 : vector<16xf32>
        %add3A_747 = arith.addf %mul3A_745, %mul3A_746 : vector<16xf32>
        %mul3A_748 = arith.mulf %get3A_300, %get3A_741 : vector<16xf32>
        %add3A_749 = arith.addf %add3A_747, %mul3A_748 : vector<16xf32>
        %mul3A_750 = arith.mulf %get3A_303, %get3A_744 : vector<16xf32>
        %add3A_751 = arith.addf %add3A_749, %mul3A_750 : vector<16xf32>
        %reduce_sum3A_752 = arith.constant true
        %reduce_sum3A_753 = vector.broadcast %reduce_sum3A_752 : i1 to vector<16xi1>
        %reduce_sum3A_754 = tpu.scan <sum>, %add3A_751 masked %reduce_sum3A_753 : vector<16xf32>, vector<16xi1> -> vector<16xf32>
        %reduce_sum3A_755 = vector.extract %reduce_sum3A_754[15] : f32 from vector<16xf32>
        %jit3A_756 = arith.constant -4.000000e+00 : f32
        %jit3A_757 = arith.constant 4.000000e+00 : f32
        %max3A_758 = arith.maximumf %jit3A_756, %reduce_sum3A_755 : f32
        %min3A_759 = arith.minimumf %jit3A_757, %max3A_758 : f32
        %eq3A_760 = arith.constant 12 : i32
        %eq3A_761 = vector.broadcast %eq3A_760 : i32 to vector<16xi32>
        %eq3A_762 = arith.cmpi eq, %iota3A, %eq3A_761 : vector<16xi32>
        %broadcast_in_dim3A_763 = vector.broadcast %min3A_759 : f32 to vector<16xf32>
        %select_n3A_764 = arith.select %eq3A_762, %broadcast_in_dim3A_763, %select_n3A_728 : vector<16xi1>, vector<16xf32>
        %mul3A_765 = arith.constant 20 : i32
        %mul3A_766 = arith.muli %scan3A_288, %mul3A_765 : i32
        %add3A_767 = arith.constant 12 : i32
        %add3A_768 = arith.addi %mul3A_766, %add3A_767 : i32
        %get3A_769 = arith.index_cast %add3A_768 : i32 to index
        %get3A_770 = arith.constant 0 : index
        %get3A_771 = tpu.vector_load %arg13[%get3A_769, %get3A_770] {strides = array<i32>} : memref<640x64xf32, #tpu.memory_space<vmem>>, vector<16xf32>,
        %get3A_772 = arith.index_cast %add3A_768 : i32 to index
        %get3A_773 = arith.constant 16 : index
        %get3A_774 = tpu.vector_load %arg13[%get3A_772, %get3A_773] {strides = array<i32>} : memref<640x64xf32, #tpu.memory_space<vmem>>, vector<16xf32>,
        %get3A_775 = arith.index_cast %add3A_768 : i32 to index
        %get3A_776 = arith.constant 32 : index
        %get3A_777 = tpu.vector_load %arg13[%get3A_775, %get3A_776] {strides = array<i32>} : memref<640x64xf32, #tpu.memory_space<vmem>>, vector<16xf32>,
        %get3A_778 = arith.index_cast %add3A_768 : i32 to index
        %get3A_779 = arith.constant 48 : index
        %get3A_780 = tpu.vector_load %arg13[%get3A_778, %get3A_779] {strides = array<i32>} : memref<640x64xf32, #tpu.memory_space<vmem>>, vector<16xf32>,
        %mul3A_781 = arith.mulf %get3A_294, %get3A_771 : vector<16xf32>
        %mul3A_782 = arith.mulf %get3A_297, %get3A_774 : vector<16xf32>
        %add3A_783 = arith.addf %mul3A_781, %mul3A_782 : vector<16xf32>
        %mul3A_784 = arith.mulf %get3A_300, %get3A_777 : vector<16xf32>
        %add3A_785 = arith.addf %add3A_783, %mul3A_784 : vector<16xf32>
        %mul3A_786 = arith.mulf %get3A_303, %get3A_780 : vector<16xf32>
        %add3A_787 = arith.addf %add3A_785, %mul3A_786 : vector<16xf32>
        %reduce_sum3A_788 = arith.constant true
        %reduce_sum3A_789 = vector.broadcast %reduce_sum3A_788 : i1 to vector<16xi1>
        %reduce_sum3A_790 = tpu.scan <sum>, %add3A_787 masked %reduce_sum3A_789 : vector<16xf32>, vector<16xi1> -> vector<16xf32>
        %reduce_sum3A_791 = vector.extract %reduce_sum3A_790[15] : f32 from vector<16xf32>
        %jit3A_792 = arith.constant -4.000000e+00 : f32
        %jit3A_793 = arith.constant 4.000000e+00 : f32
        %max3A_794 = arith.maximumf %jit3A_792, %reduce_sum3A_791 : f32
        %min3A_795 = arith.minimumf %jit3A_793, %max3A_794 : f32
        %eq3A_796 = arith.constant 13 : i32
        %eq3A_797 = vector.broadcast %eq3A_796 : i32 to vector<16xi32>
        %eq3A_798 = arith.cmpi eq, %iota3A, %eq3A_797 : vector<16xi32>
        %broadcast_in_dim3A_799 = vector.broadcast %min3A_795 : f32 to vector<16xf32>
        %select_n3A_800 = arith.select %eq3A_798, %broadcast_in_dim3A_799, %select_n3A_764 : vector<16xi1>, vector<16xf32>
        %mul3A_801 = arith.constant 20 : i32
        %mul3A_802 = arith.muli %scan3A_288, %mul3A_801 : i32
        %add3A_803 = arith.constant 13 : i32
        %add3A_804 = arith.addi %mul3A_802, %add3A_803 : i32
        %get3A_805 = arith.index_cast %add3A_804 : i32 to index
        %get3A_806 = arith.constant 0 : index
        %get3A_807 = tpu.vector_load %arg13[%get3A_805, %get3A_806] {strides = array<i32>} : memref<640x64xf32, #tpu.memory_space<vmem>>, vector<16xf32>,
        %get3A_808 = arith.index_cast %add3A_804 : i32 to index
        %get3A_809 = arith.constant 16 : index
        %get3A_810 = tpu.vector_load %arg13[%get3A_808, %get3A_809] {strides = array<i32>} : memref<640x64xf32, #tpu.memory_space<vmem>>, vector<16xf32>,
        %get3A_811 = arith.index_cast %add3A_804 : i32 to index
        %get3A_812 = arith.constant 32 : index
        %get3A_813 = tpu.vector_load %arg13[%get3A_811, %get3A_812] {strides = array<i32>} : memref<640x64xf32, #tpu.memory_space<vmem>>, vector<16xf32>,
        %get3A_814 = arith.index_cast %add3A_804 : i32 to index
        %get3A_815 = arith.constant 48 : index
        %get3A_816 = tpu.vector_load %arg13[%get3A_814, %get3A_815] {strides = array<i32>} : memref<640x64xf32, #tpu.memory_space<vmem>>, vector<16xf32>,
        %mul3A_817 = arith.mulf %get3A_294, %get3A_807 : vector<16xf32>
        %mul3A_818 = arith.mulf %get3A_297, %get3A_810 : vector<16xf32>
        %add3A_819 = arith.addf %mul3A_817, %mul3A_818 : vector<16xf32>
        %mul3A_820 = arith.mulf %get3A_300, %get3A_813 : vector<16xf32>
        %add3A_821 = arith.addf %add3A_819, %mul3A_820 : vector<16xf32>
        %mul3A_822 = arith.mulf %get3A_303, %get3A_816 : vector<16xf32>
        %add3A_823 = arith.addf %add3A_821, %mul3A_822 : vector<16xf32>
        %reduce_sum3A_824 = arith.constant true
        %reduce_sum3A_825 = vector.broadcast %reduce_sum3A_824 : i1 to vector<16xi1>
        %reduce_sum3A_826 = tpu.scan <sum>, %add3A_823 masked %reduce_sum3A_825 : vector<16xf32>, vector<16xi1> -> vector<16xf32>
        %reduce_sum3A_827 = vector.extract %reduce_sum3A_826[15] : f32 from vector<16xf32>
        %jit3A_828 = arith.constant -4.000000e+00 : f32
        %jit3A_829 = arith.constant 4.000000e+00 : f32
        %max3A_830 = arith.maximumf %jit3A_828, %reduce_sum3A_827 : f32
        %min3A_831 = arith.minimumf %jit3A_829, %max3A_830 : f32
        %eq3A_832 = arith.constant 14 : i32
        %eq3A_833 = vector.broadcast %eq3A_832 : i32 to vector<16xi32>
        %eq3A_834 = arith.cmpi eq, %iota3A, %eq3A_833 : vector<16xi32>
        %broadcast_in_dim3A_835 = vector.broadcast %min3A_831 : f32 to vector<16xf32>
        %select_n3A_836 = arith.select %eq3A_834, %broadcast_in_dim3A_835, %select_n3A_800 : vector<16xi1>, vector<16xf32>
        %mul3A_837 = arith.constant 20 : i32
        %mul3A_838 = arith.muli %scan3A_288, %mul3A_837 : i32
        %add3A_839 = arith.constant 14 : i32
        %add3A_840 = arith.addi %mul3A_838, %add3A_839 : i32
        %get3A_841 = arith.index_cast %add3A_840 : i32 to index
        %get3A_842 = arith.constant 0 : index
        %get3A_843 = tpu.vector_load %arg13[%get3A_841, %get3A_842] {strides = array<i32>} : memref<640x64xf32, #tpu.memory_space<vmem>>, vector<16xf32>,
        %get3A_844 = arith.index_cast %add3A_840 : i32 to index
        %get3A_845 = arith.constant 16 : index
        %get3A_846 = tpu.vector_load %arg13[%get3A_844, %get3A_845] {strides = array<i32>} : memref<640x64xf32, #tpu.memory_space<vmem>>, vector<16xf32>,
        %get3A_847 = arith.index_cast %add3A_840 : i32 to index
        %get3A_848 = arith.constant 32 : index
        %get3A_849 = tpu.vector_load %arg13[%get3A_847, %get3A_848] {strides = array<i32>} : memref<640x64xf32, #tpu.memory_space<vmem>>, vector<16xf32>,
        %get3A_850 = arith.index_cast %add3A_840 : i32 to index
        %get3A_851 = arith.constant 48 : index
        %get3A_852 = tpu.vector_load %arg13[%get3A_850, %get3A_851] {strides = array<i32>} : memref<640x64xf32, #tpu.memory_space<vmem>>, vector<16xf32>,
        %mul3A_853 = arith.mulf %get3A_294, %get3A_843 : vector<16xf32>
        %mul3A_854 = arith.mulf %get3A_297, %get3A_846 : vector<16xf32>
        %add3A_855 = arith.addf %mul3A_853, %mul3A_854 : vector<16xf32>
        %mul3A_856 = arith.mulf %get3A_300, %get3A_849 : vector<16xf32>
        %add3A_857 = arith.addf %add3A_855, %mul3A_856 : vector<16xf32>
        %mul3A_858 = arith.mulf %get3A_303, %get3A_852 : vector<16xf32>
        %add3A_859 = arith.addf %add3A_857, %mul3A_858 : vector<16xf32>
        %reduce_sum3A_860 = arith.constant true
        %reduce_sum3A_861 = vector.broadcast %reduce_sum3A_860 : i1 to vector<16xi1>
        %reduce_sum3A_862 = tpu.scan <sum>, %add3A_859 masked %reduce_sum3A_861 : vector<16xf32>, vector<16xi1> -> vector<16xf32>
        %reduce_sum3A_863 = vector.extract %reduce_sum3A_862[15] : f32 from vector<16xf32>
        %jit3A_864 = arith.constant -4.000000e+00 : f32
        %jit3A_865 = arith.constant 4.000000e+00 : f32
        %max3A_866 = arith.maximumf %jit3A_864, %reduce_sum3A_863 : f32
        %min3A_867 = arith.minimumf %jit3A_865, %max3A_866 : f32
        %eq3A_868 = arith.constant 15 : i32
        %eq3A_869 = vector.broadcast %eq3A_868 : i32 to vector<16xi32>
        %eq3A_870 = arith.cmpi eq, %iota3A, %eq3A_869 : vector<16xi32>
        %broadcast_in_dim3A_871 = vector.broadcast %min3A_867 : f32 to vector<16xf32>
        %select_n3A_872 = arith.select %eq3A_870, %broadcast_in_dim3A_871, %select_n3A_836 : vector<16xi1>, vector<16xf32>
        %mul3A_873 = arith.constant 20 : i32
        %mul3A_874 = arith.muli %scan3A_288, %mul3A_873 : i32
        %add3A_875 = arith.constant 15 : i32
        %add3A_876 = arith.addi %mul3A_874, %add3A_875 : i32
        %get3A_877 = arith.index_cast %add3A_876 : i32 to index
        %get3A_878 = arith.constant 0 : index
        %get3A_879 = tpu.vector_load %arg13[%get3A_877, %get3A_878] {strides = array<i32>} : memref<640x64xf32, #tpu.memory_space<vmem>>, vector<16xf32>,
        %get3A_880 = arith.index_cast %add3A_876 : i32 to index
        %get3A_881 = arith.constant 16 : index
        %get3A_882 = tpu.vector_load %arg13[%get3A_880, %get3A_881] {strides = array<i32>} : memref<640x64xf32, #tpu.memory_space<vmem>>, vector<16xf32>,
        %get3A_883 = arith.index_cast %add3A_876 : i32 to index
        %get3A_884 = arith.constant 32 : index
        %get3A_885 = tpu.vector_load %arg13[%get3A_883, %get3A_884] {strides = array<i32>} : memref<640x64xf32, #tpu.memory_space<vmem>>, vector<16xf32>,
        %get3A_886 = arith.index_cast %add3A_876 : i32 to index
        %get3A_887 = arith.constant 48 : index
        %get3A_888 = tpu.vector_load %arg13[%get3A_886, %get3A_887] {strides = array<i32>} : memref<640x64xf32, #tpu.memory_space<vmem>>, vector<16xf32>,
        %mul3A_889 = arith.mulf %get3A_294, %get3A_879 : vector<16xf32>
        %mul3A_890 = arith.mulf %get3A_297, %get3A_882 : vector<16xf32>
        %add3A_891 = arith.addf %mul3A_889, %mul3A_890 : vector<16xf32>
        %mul3A_892 = arith.mulf %get3A_300, %get3A_885 : vector<16xf32>
        %add3A_893 = arith.addf %add3A_891, %mul3A_892 : vector<16xf32>
        %mul3A_894 = arith.mulf %get3A_303, %get3A_888 : vector<16xf32>
        %add3A_895 = arith.addf %add3A_893, %mul3A_894 : vector<16xf32>
        %reduce_sum3A_896 = arith.constant true
        %reduce_sum3A_897 = vector.broadcast %reduce_sum3A_896 : i1 to vector<16xi1>
        %reduce_sum3A_898 = tpu.scan <sum>, %add3A_895 masked %reduce_sum3A_897 : vector<16xf32>, vector<16xi1> -> vector<16xf32>
        %reduce_sum3A_899 = vector.extract %reduce_sum3A_898[15] : f32 from vector<16xf32>
        %jit3A_900 = arith.constant -4.000000e+00 : f32
        %jit3A_901 = arith.constant 4.000000e+00 : f32
        %max3A_902 = arith.maximumf %jit3A_900, %reduce_sum3A_899 : f32
        %min3A_903 = arith.minimumf %jit3A_901, %max3A_902 : f32
        %eq3A_904 = arith.constant 0 : i32
        %eq3A_905 = vector.broadcast %eq3A_904 : i32 to vector<16xi32>
        %eq3A_906 = arith.cmpi eq, %iota3A, %eq3A_905 : vector<16xi32>
        %broadcast_in_dim3A_907 = vector.broadcast %min3A_903 : f32 to vector<16xf32>
        %select_n3A_908 = arith.select %eq3A_906, %broadcast_in_dim3A_907, %broadcast_in_dim3A_169 : vector<16xi1>, vector<16xf32>
        %mul3A_909 = arith.constant 20 : i32
        %mul3A_910 = arith.muli %scan3A_288, %mul3A_909 : i32
        %add3A_911 = arith.constant 16 : i32
        %add3A_912 = arith.addi %mul3A_910, %add3A_911 : i32
        %get3A_913 = arith.index_cast %add3A_912 : i32 to index
        %get3A_914 = arith.constant 0 : index
        %get3A_915 = tpu.vector_load %arg13[%get3A_913, %get3A_914] {strides = array<i32>} : memref<640x64xf32, #tpu.memory_space<vmem>>, vector<16xf32>,
        %get3A_916 = arith.index_cast %add3A_912 : i32 to index
        %get3A_917 = arith.constant 16 : index
        %get3A_918 = tpu.vector_load %arg13[%get3A_916, %get3A_917] {strides = array<i32>} : memref<640x64xf32, #tpu.memory_space<vmem>>, vector<16xf32>,
        %get3A_919 = arith.index_cast %add3A_912 : i32 to index
        %get3A_920 = arith.constant 32 : index
        %get3A_921 = tpu.vector_load %arg13[%get3A_919, %get3A_920] {strides = array<i32>} : memref<640x64xf32, #tpu.memory_space<vmem>>, vector<16xf32>,
        %get3A_922 = arith.index_cast %add3A_912 : i32 to index
        %get3A_923 = arith.constant 48 : index
        %get3A_924 = tpu.vector_load %arg13[%get3A_922, %get3A_923] {strides = array<i32>} : memref<640x64xf32, #tpu.memory_space<vmem>>, vector<16xf32>,
        %mul3A_925 = arith.mulf %get3A_294, %get3A_915 : vector<16xf32>
        %mul3A_926 = arith.mulf %get3A_297, %get3A_918 : vector<16xf32>
        %add3A_927 = arith.addf %mul3A_925, %mul3A_926 : vector<16xf32>
        %mul3A_928 = arith.mulf %get3A_300, %get3A_921 : vector<16xf32>
        %add3A_929 = arith.addf %add3A_927, %mul3A_928 : vector<16xf32>
        %mul3A_930 = arith.mulf %get3A_303, %get3A_924 : vector<16xf32>
        %add3A_931 = arith.addf %add3A_929, %mul3A_930 : vector<16xf32>
        %reduce_sum3A_932 = arith.constant true
        %reduce_sum3A_933 = vector.broadcast %reduce_sum3A_932 : i1 to vector<16xi1>
        %reduce_sum3A_934 = tpu.scan <sum>, %add3A_931 masked %reduce_sum3A_933 : vector<16xf32>, vector<16xi1> -> vector<16xf32>
        %reduce_sum3A_935 = vector.extract %reduce_sum3A_934[15] : f32 from vector<16xf32>
        %jit3A_936 = arith.constant -4.000000e+00 : f32
        %jit3A_937 = arith.constant 4.000000e+00 : f32
        %max3A_938 = arith.maximumf %jit3A_936, %reduce_sum3A_935 : f32
        %min3A_939 = arith.minimumf %jit3A_937, %max3A_938 : f32
        %eq3A_940 = arith.constant 1 : i32
        %eq3A_941 = vector.broadcast %eq3A_940 : i32 to vector<16xi32>
        %eq3A_942 = arith.cmpi eq, %iota3A, %eq3A_941 : vector<16xi32>
        %broadcast_in_dim3A_943 = vector.broadcast %min3A_939 : f32 to vector<16xf32>
        %select_n3A_944 = arith.select %eq3A_942, %broadcast_in_dim3A_943, %select_n3A_908 : vector<16xi1>, vector<16xf32>
        %mul3A_945 = arith.constant 20 : i32
        %mul3A_946 = arith.muli %scan3A_288, %mul3A_945 : i32
        %add3A_947 = arith.constant 17 : i32
        %add3A_948 = arith.addi %mul3A_946, %add3A_947 : i32
        %get3A_949 = arith.index_cast %add3A_948 : i32 to index
        %get3A_950 = arith.constant 0 : index
        %get3A_951 = tpu.vector_load %arg13[%get3A_949, %get3A_950] {strides = array<i32>} : memref<640x64xf32, #tpu.memory_space<vmem>>, vector<16xf32>,
        %get3A_952 = arith.index_cast %add3A_948 : i32 to index
        %get3A_953 = arith.constant 16 : index
        %get3A_954 = tpu.vector_load %arg13[%get3A_952, %get3A_953] {strides = array<i32>} : memref<640x64xf32, #tpu.memory_space<vmem>>, vector<16xf32>,
        %get3A_955 = arith.index_cast %add3A_948 : i32 to index
        %get3A_956 = arith.constant 32 : index
        %get3A_957 = tpu.vector_load %arg13[%get3A_955, %get3A_956] {strides = array<i32>} : memref<640x64xf32, #tpu.memory_space<vmem>>, vector<16xf32>,
        %get3A_958 = arith.index_cast %add3A_948 : i32 to index
        %get3A_959 = arith.constant 48 : index
        %get3A_960 = tpu.vector_load %arg13[%get3A_958, %get3A_959] {strides = array<i32>} : memref<640x64xf32, #tpu.memory_space<vmem>>, vector<16xf32>,
        %mul3A_961 = arith.mulf %get3A_294, %get3A_951 : vector<16xf32>
        %mul3A_962 = arith.mulf %get3A_297, %get3A_954 : vector<16xf32>
        %add3A_963 = arith.addf %mul3A_961, %mul3A_962 : vector<16xf32>
        %mul3A_964 = arith.mulf %get3A_300, %get3A_957 : vector<16xf32>
        %add3A_965 = arith.addf %add3A_963, %mul3A_964 : vector<16xf32>
        %mul3A_966 = arith.mulf %get3A_303, %get3A_960 : vector<16xf32>
        %add3A_967 = arith.addf %add3A_965, %mul3A_966 : vector<16xf32>
        %reduce_sum3A_968 = arith.constant true
        %reduce_sum3A_969 = vector.broadcast %reduce_sum3A_968 : i1 to vector<16xi1>
        %reduce_sum3A_970 = tpu.scan <sum>, %add3A_967 masked %reduce_sum3A_969 : vector<16xf32>, vector<16xi1> -> vector<16xf32>
        %reduce_sum3A_971 = vector.extract %reduce_sum3A_970[15] : f32 from vector<16xf32>
        %jit3A_972 = arith.constant -4.000000e+00 : f32
        %jit3A_973 = arith.constant 4.000000e+00 : f32
        %max3A_974 = arith.maximumf %jit3A_972, %reduce_sum3A_971 : f32
        %min3A_975 = arith.minimumf %jit3A_973, %max3A_974 : f32
        %eq3A_976 = arith.constant 2 : i32
        %eq3A_977 = vector.broadcast %eq3A_976 : i32 to vector<16xi32>
        %eq3A_978 = arith.cmpi eq, %iota3A, %eq3A_977 : vector<16xi32>
        %broadcast_in_dim3A_979 = vector.broadcast %min3A_975 : f32 to vector<16xf32>
        %select_n3A_980 = arith.select %eq3A_978, %broadcast_in_dim3A_979, %select_n3A_944 : vector<16xi1>, vector<16xf32>
        %mul3A_981 = arith.constant 20 : i32
        %mul3A_982 = arith.muli %scan3A_288, %mul3A_981 : i32
        %add3A_983 = arith.constant 18 : i32
        %add3A_984 = arith.addi %mul3A_982, %add3A_983 : i32
        %get3A_985 = arith.index_cast %add3A_984 : i32 to index
        %get3A_986 = arith.constant 0 : index
        %get3A_987 = tpu.vector_load %arg13[%get3A_985, %get3A_986] {strides = array<i32>} : memref<640x64xf32, #tpu.memory_space<vmem>>, vector<16xf32>,
        %get3A_988 = arith.index_cast %add3A_984 : i32 to index
        %get3A_989 = arith.constant 16 : index
        %get3A_990 = tpu.vector_load %arg13[%get3A_988, %get3A_989] {strides = array<i32>} : memref<640x64xf32, #tpu.memory_space<vmem>>, vector<16xf32>,
        %get3A_991 = arith.index_cast %add3A_984 : i32 to index
        %get3A_992 = arith.constant 32 : index
        %get3A_993 = tpu.vector_load %arg13[%get3A_991, %get3A_992] {strides = array<i32>} : memref<640x64xf32, #tpu.memory_space<vmem>>, vector<16xf32>,
        %get3A_994 = arith.index_cast %add3A_984 : i32 to index
        %get3A_995 = arith.constant 48 : index
        %get3A_996 = tpu.vector_load %arg13[%get3A_994, %get3A_995] {strides = array<i32>} : memref<640x64xf32, #tpu.memory_space<vmem>>, vector<16xf32>,
        %mul3A_997 = arith.mulf %get3A_294, %get3A_987 : vector<16xf32>
        %mul3A_998 = arith.mulf %get3A_297, %get3A_990 : vector<16xf32>
        %add3A_999 = arith.addf %mul3A_997, %mul3A_998 : vector<16xf32>
        %mul3A_1000 = arith.mulf %get3A_300, %get3A_993 : vector<16xf32>
        %add3A_1001 = arith.addf %add3A_999, %mul3A_1000 : vector<16xf32>
        %mul3A_1002 = arith.mulf %get3A_303, %get3A_996 : vector<16xf32>
        %add3A_1003 = arith.addf %add3A_1001, %mul3A_1002 : vector<16xf32>
        %reduce_sum3A_1004 = arith.constant true
        %reduce_sum3A_1005 = vector.broadcast %reduce_sum3A_1004 : i1 to vector<16xi1>
        %reduce_sum3A_1006 = tpu.scan <sum>, %add3A_1003 masked %reduce_sum3A_1005 : vector<16xf32>, vector<16xi1> -> vector<16xf32>
        %reduce_sum3A_1007 = vector.extract %reduce_sum3A_1006[15] : f32 from vector<16xf32>
        %jit3A_1008 = arith.constant -4.000000e+00 : f32
        %jit3A_1009 = arith.constant 4.000000e+00 : f32
        %max3A_1010 = arith.maximumf %jit3A_1008, %reduce_sum3A_1007 : f32
        %min3A_1011 = arith.minimumf %jit3A_1009, %max3A_1010 : f32
        %eq3A_1012 = arith.constant 3 : i32
        %eq3A_1013 = vector.broadcast %eq3A_1012 : i32 to vector<16xi32>
        %eq3A_1014 = arith.cmpi eq, %iota3A, %eq3A_1013 : vector<16xi32>
        %broadcast_in_dim3A_1015 = vector.broadcast %min3A_1011 : f32 to vector<16xf32>
        %select_n3A_1016 = arith.select %eq3A_1014, %broadcast_in_dim3A_1015, %select_n3A_980 : vector<16xi1>, vector<16xf32>
        %mul3A_1017 = arith.constant 20 : i32
        %mul3A_1018 = arith.muli %scan3A_288, %mul3A_1017 : i32
        %add3A_1019 = arith.constant 19 : i32
        %add3A_1020 = arith.addi %mul3A_1018, %add3A_1019 : i32
        %get3A_1021 = arith.index_cast %add3A_1020 : i32 to index
        %get3A_1022 = arith.constant 0 : index
        %get3A_1023 = tpu.vector_load %arg13[%get3A_1021, %get3A_1022] {strides = array<i32>} : memref<640x64xf32, #tpu.memory_space<vmem>>, vector<16xf32>,
        %get3A_1024 = arith.index_cast %add3A_1020 : i32 to index
        %get3A_1025 = arith.constant 16 : index
        %get3A_1026 = tpu.vector_load %arg13[%get3A_1024, %get3A_1025] {strides = array<i32>} : memref<640x64xf32, #tpu.memory_space<vmem>>, vector<16xf32>,
        %get3A_1027 = arith.index_cast %add3A_1020 : i32 to index
        %get3A_1028 = arith.constant 32 : index
        %get3A_1029 = tpu.vector_load %arg13[%get3A_1027, %get3A_1028] {strides = array<i32>} : memref<640x64xf32, #tpu.memory_space<vmem>>, vector<16xf32>,
        %get3A_1030 = arith.index_cast %add3A_1020 : i32 to index
        %get3A_1031 = arith.constant 48 : index
        %get3A_1032 = tpu.vector_load %arg13[%get3A_1030, %get3A_1031] {strides = array<i32>} : memref<640x64xf32, #tpu.memory_space<vmem>>, vector<16xf32>,
        %mul3A_1033 = arith.mulf %get3A_294, %get3A_1023 : vector<16xf32>
        %mul3A_1034 = arith.mulf %get3A_297, %get3A_1026 : vector<16xf32>
        %add3A_1035 = arith.addf %mul3A_1033, %mul3A_1034 : vector<16xf32>
        %mul3A_1036 = arith.mulf %get3A_300, %get3A_1029 : vector<16xf32>
        %add3A_1037 = arith.addf %add3A_1035, %mul3A_1036 : vector<16xf32>
        %mul3A_1038 = arith.mulf %get3A_303, %get3A_1032 : vector<16xf32>
        %add3A_1039 = arith.addf %add3A_1037, %mul3A_1038 : vector<16xf32>
        %reduce_sum3A_1040 = arith.constant true
        %reduce_sum3A_1041 = vector.broadcast %reduce_sum3A_1040 : i1 to vector<16xi1>
        %reduce_sum3A_1042 = tpu.scan <sum>, %add3A_1039 masked %reduce_sum3A_1041 : vector<16xf32>, vector<16xi1> -> vector<16xf32>
        %reduce_sum3A_1043 = vector.extract %reduce_sum3A_1042[15] : f32 from vector<16xf32>
        %jit3A_1044 = arith.constant -4.000000e+00 : f32
        %jit3A_1045 = arith.constant 4.000000e+00 : f32
        %max3A_1046 = arith.maximumf %jit3A_1044, %reduce_sum3A_1043 : f32
        %min3A_1047 = arith.minimumf %jit3A_1045, %max3A_1046 : f32
        %eq3A_1048 = arith.constant 4 : i32
        %eq3A_1049 = vector.broadcast %eq3A_1048 : i32 to vector<16xi32>
        %eq3A_1050 = arith.cmpi eq, %iota3A, %eq3A_1049 : vector<16xi32>
        %broadcast_in_dim3A_1051 = vector.broadcast %min3A_1047 : f32 to vector<16xf32>
        %select_n3A_1052 = arith.select %eq3A_1050, %broadcast_in_dim3A_1051, %select_n3A_1016 : vector<16xi1>, vector<16xf32>
        %abs3A = math.absf %select_n3A_872 : vector<16xf32>
        %neg3A_1053 = arith.constant 0.000000e+00 : f32
        %neg3A_1054 = vector.broadcast %neg3A_1053 : f32 to vector<16xf32>
        %neg3A_1055 = arith.subf %neg3A_1054, %abs3A : vector<16xf32>
        %exp3A = math.exp %neg3A_1055 : vector<16xf32>
        %broadcast_in_dim3A_1056 = arith.constant -0.00228832359 : f32
        %broadcast_in_dim3A_1057 = vector.broadcast %broadcast_in_dim3A_1056 : f32 to vector<16xf32>
        %mul3A_1058 = arith.mulf %broadcast_in_dim3A_1057, %exp3A : vector<16xf32>
        %add3A_1059 = arith.constant 0.0151470704 : f32
        %add3A_1060 = vector.broadcast %add3A_1059 : f32 to vector<16xf32>
        %add3A_1061 = arith.addf %mul3A_1058, %add3A_1060 : vector<16xf32>
        %mul3A_1062 = arith.mulf %add3A_1061, %exp3A : vector<16xf32>
        %add3A_1063 = arith.constant -0.0471380055 : f32
        %add3A_1064 = vector.broadcast %add3A_1063 : f32 to vector<16xf32>
        %add3A_1065 = arith.addf %mul3A_1062, %add3A_1064 : vector<16xf32>
        %mul3A_1066 = arith.mulf %add3A_1065, %exp3A : vector<16xf32>
        %add3A_1067 = arith.constant 0.0947104394 : f32
        %add3A_1068 = vector.broadcast %add3A_1067 : f32 to vector<16xf32>
        %add3A_1069 = arith.addf %mul3A_1066, %add3A_1068 : vector<16xf32>
        %mul3A_1070 = arith.mulf %add3A_1069, %exp3A : vector<16xf32>
        %add3A_1071 = arith.constant -0.145182326 : f32
        %add3A_1072 = vector.broadcast %add3A_1071 : f32 to vector<16xf32>
        %add3A_1073 = arith.addf %mul3A_1070, %add3A_1072 : vector<16xf32>
        %mul3A_1074 = arith.mulf %add3A_1073, %exp3A : vector<16xf32>
        %add3A_1075 = arith.constant 0.193379626 : f32
        %add3A_1076 = vector.broadcast %add3A_1075 : f32 to vector<16xf32>
        %add3A_1077 = arith.addf %mul3A_1074, %add3A_1076 : vector<16xf32>
        %mul3A_1078 = arith.mulf %add3A_1077, %exp3A : vector<16xf32>
        %add3A_1079 = arith.constant -0.248659328 : f32
        %add3A_1080 = vector.broadcast %add3A_1079 : f32 to vector<16xf32>
        %add3A_1081 = arith.addf %mul3A_1078, %add3A_1080 : vector<16xf32>
        %mul3A_1082 = arith.mulf %add3A_1081, %exp3A : vector<16xf32>
        %add3A_1083 = arith.constant 0.333167166 : f32
        %add3A_1084 = vector.broadcast %add3A_1083 : f32 to vector<16xf32>
        %add3A_1085 = arith.addf %mul3A_1082, %add3A_1084 : vector<16xf32>
        %mul3A_1086 = arith.mulf %add3A_1085, %exp3A : vector<16xf32>
        %add3A_1087 = arith.constant -0.499988794 : f32
        %add3A_1088 = vector.broadcast %add3A_1087 : f32 to vector<16xf32>
        %add3A_1089 = arith.addf %mul3A_1086, %add3A_1088 : vector<16xf32>
        %mul3A_1090 = arith.mulf %add3A_1089, %exp3A : vector<16xf32>
        %add3A_1091 = arith.constant 0.999999642 : f32
        %add3A_1092 = vector.broadcast %add3A_1091 : f32 to vector<16xf32>
        %add3A_1093 = arith.addf %mul3A_1090, %add3A_1092 : vector<16xf32>
        %mul3A_1094 = arith.mulf %add3A_1093, %exp3A : vector<16xf32>
        %add3A_1095 = arith.constant 2.38672349E-9 : f32
        %add3A_1096 = vector.broadcast %add3A_1095 : f32 to vector<16xf32>
        %add3A_1097 = arith.addf %mul3A_1094, %add3A_1096 : vector<16xf32>
        %max3A_1098 = arith.constant 0.000000e+00 : f32
        %max3A_1099 = vector.broadcast %max3A_1098 : f32 to vector<16xf32>
        %max3A_1100 = arith.maximumf %select_n3A_872, %max3A_1099 : vector<16xf32>
        %add3A_1101 = arith.addf %max3A_1100, %add3A_1097 : vector<16xf32>
        %abs3A_1102 = math.absf %select_n3A_1052 : vector<16xf32>
        %neg3A_1103 = arith.constant 0.000000e+00 : f32
        %neg3A_1104 = vector.broadcast %neg3A_1103 : f32 to vector<16xf32>
        %neg3A_1105 = arith.subf %neg3A_1104, %abs3A_1102 : vector<16xf32>
        %exp3A_1106 = math.exp %neg3A_1105 : vector<16xf32>
        %broadcast_in_dim3A_1107 = arith.constant -0.00228832359 : f32
        %broadcast_in_dim3A_1108 = vector.broadcast %broadcast_in_dim3A_1107 : f32 to vector<16xf32>
        %mul3A_1109 = arith.mulf %broadcast_in_dim3A_1108, %exp3A_1106 : vector<16xf32>
        %add3A_1110 = arith.constant 0.0151470704 : f32
        %add3A_1111 = vector.broadcast %add3A_1110 : f32 to vector<16xf32>
        %add3A_1112 = arith.addf %mul3A_1109, %add3A_1111 : vector<16xf32>
        %mul3A_1113 = arith.mulf %add3A_1112, %exp3A_1106 : vector<16xf32>
        %add3A_1114 = arith.constant -0.0471380055 : f32
        %add3A_1115 = vector.broadcast %add3A_1114 : f32 to vector<16xf32>
        %add3A_1116 = arith.addf %mul3A_1113, %add3A_1115 : vector<16xf32>
        %mul3A_1117 = arith.mulf %add3A_1116, %exp3A_1106 : vector<16xf32>
        %add3A_1118 = arith.constant 0.0947104394 : f32
        %add3A_1119 = vector.broadcast %add3A_1118 : f32 to vector<16xf32>
        %add3A_1120 = arith.addf %mul3A_1117, %add3A_1119 : vector<16xf32>
        %mul3A_1121 = arith.mulf %add3A_1120, %exp3A_1106 : vector<16xf32>
        %add3A_1122 = arith.constant -0.145182326 : f32
        %add3A_1123 = vector.broadcast %add3A_1122 : f32 to vector<16xf32>
        %add3A_1124 = arith.addf %mul3A_1121, %add3A_1123 : vector<16xf32>
        %mul3A_1125 = arith.mulf %add3A_1124, %exp3A_1106 : vector<16xf32>
        %add3A_1126 = arith.constant 0.193379626 : f32
        %add3A_1127 = vector.broadcast %add3A_1126 : f32 to vector<16xf32>
        %add3A_1128 = arith.addf %mul3A_1125, %add3A_1127 : vector<16xf32>
        %mul3A_1129 = arith.mulf %add3A_1128, %exp3A_1106 : vector<16xf32>
        %add3A_1130 = arith.constant -0.248659328 : f32
        %add3A_1131 = vector.broadcast %add3A_1130 : f32 to vector<16xf32>
        %add3A_1132 = arith.addf %mul3A_1129, %add3A_1131 : vector<16xf32>
        %mul3A_1133 = arith.mulf %add3A_1132, %exp3A_1106 : vector<16xf32>
        %add3A_1134 = arith.constant 0.333167166 : f32
        %add3A_1135 = vector.broadcast %add3A_1134 : f32 to vector<16xf32>
        %add3A_1136 = arith.addf %mul3A_1133, %add3A_1135 : vector<16xf32>
        %mul3A_1137 = arith.mulf %add3A_1136, %exp3A_1106 : vector<16xf32>
        %add3A_1138 = arith.constant -0.499988794 : f32
        %add3A_1139 = vector.broadcast %add3A_1138 : f32 to vector<16xf32>
        %add3A_1140 = arith.addf %mul3A_1137, %add3A_1139 : vector<16xf32>
        %mul3A_1141 = arith.mulf %add3A_1140, %exp3A_1106 : vector<16xf32>
        %add3A_1142 = arith.constant 0.999999642 : f32
        %add3A_1143 = vector.broadcast %add3A_1142 : f32 to vector<16xf32>
        %add3A_1144 = arith.addf %mul3A_1141, %add3A_1143 : vector<16xf32>
        %mul3A_1145 = arith.mulf %add3A_1144, %exp3A_1106 : vector<16xf32>
        %add3A_1146 = arith.constant 2.38672349E-9 : f32
        %add3A_1147 = vector.broadcast %add3A_1146 : f32 to vector<16xf32>
        %add3A_1148 = arith.addf %mul3A_1145, %add3A_1147 : vector<16xf32>
        %max3A_1149 = arith.constant 0.000000e+00 : f32
        %max3A_1150 = vector.broadcast %max3A_1149 : f32 to vector<16xf32>
        %max3A_1151 = arith.maximumf %select_n3A_1052, %max3A_1150 : vector<16xf32>
        %add3A_1152 = arith.addf %max3A_1151, %add3A_1148 : vector<16xf32>
        %mul3A_1153 = arith.mulf %add3A_1152, %select_n3A : vector<16xf32>
        %add3A_1154 = arith.addf %add3A_1101, %mul3A_1153 : vector<16xf32>
        %reduce_sum3A_1155 = arith.constant true
        %reduce_sum3A_1156 = vector.broadcast %reduce_sum3A_1155 : i1 to vector<16xi1>
        %reduce_sum3A_1157 = tpu.scan <sum>, %add3A_1154 masked %reduce_sum3A_1156 : vector<16xf32>, vector<16xi1> -> vector<16xf32>
        %reduce_sum3A_1158 = vector.extract %reduce_sum3A_1157[15] : f32 from vector<16xf32>
        %rem3A = arith.constant 16 : i32
        %rem3A_1159 = arith.remsi %scan3A_288, %rem3A : i32
        %eq3A_1160 = vector.broadcast %rem3A_1159 : i32 to vector<16xi32>
        %eq3A_1161 = arith.cmpi eq, %iota3A, %eq3A_1160 : vector<16xi32>
        %broadcast_in_dim3A_1162 = vector.broadcast %reduce_sum3A_1158 : f32 to vector<16xf32>
        %select_n3A_1163 = arith.select %eq3A_1161, %broadcast_in_dim3A_1162, %scan3A_289 : vector<16xi1>, vector<16xf32>
        %rem3A_1164 = arith.constant 16 : i32
        %rem3A_1165 = arith.remsi %scan3A_288, %rem3A_1164 : i32
        %eq3A_1166 = arith.constant 15 : i32
        %eq3A_1167 = arith.cmpi eq, %rem3A_1165, %eq3A_1166 : i32
        %convert_element_type3A = arith.extui %eq3A_1167 : i1 to i32
        %cond3A = arith.constant 0 : i32
        %cond3A_1168 = arith.cmpi ne, %convert_element_type3A, %cond3A : i32
        scf.if %cond3A_1168 {
          %mul3A_1169 = arith.constant 32 : i32
          %mul3A_1170 = arith.muli %scan3A_178, %mul3A_1169 : i32
          %add3A_1171 = arith.addi %mul3A_1170, %scan3A_288 : i32
          %sub3A = arith.constant 15 : i32
          %sub3A_1172 = arith.subi %add3A_1171, %sub3A : i32
          %multiple_of3A_1173 = tpu.assume_multiple %sub3A_1172, 16 : i32
          %swap3A = arith.index_cast %multiple_of3A_1173 : i32 to index
          %swap3A_1174 = tpu.vector_load %arg14[%swap3A] {strides = array<i32>} : memref<512xf32, #tpu.memory_space<vmem>>, vector<16xf32>,
          tpu.vector_store %arg14[%swap3A], %select_n3A_1163 {strides = array<i32>} : memref<512xf32, #tpu.memory_space<vmem>>, vector<16xf32>,
        } else {
        }
        scf.yield %select_n3A_1163 : vector<16xf32>
      }
      %scan3A_287 = arith.constant 32 : i32
    }
    %scan3A_174 = arith.constant 16 : i32
    %mul3A_175 = arith.constant 512 : i32
    %mul3A_176 = arith.muli %add3A, %mul3A_175 : i32
    %multiple_of3A_177 = tpu.assume_multiple %mul3A_176, 512 : i32
    "tpu.region"() ({
      %run_scoped3A = tpu.sem_alloc : memref<!tpu.dma_semaphore, #tpu.memory_space<semaphore_mem>>
      %dma_start3A_178 = tpu.memref_slice %arg7[%multiple_of3A_177] : memref<16384xf32, #tpu.memory_space<hbm>> -> memref<512xf32, #tpu.memory_space<hbm>>
      %dma_start3A_179 = tpu.memref_slice %arg7[%multiple_of3A_177] : memref<16384xf32, #tpu.memory_space<hbm>> -> memref<512xf32, #tpu.memory_space<hbm>>
      tpu.enqueue_dma source(%arg14 : memref<512xf32, #tpu.memory_space<vmem>>) target(%dma_start3A_179 : memref<512xf32, #tpu.memory_space<hbm>>) target_semaphore(%run_scoped3A : memref<!tpu.dma_semaphore, #tpu.memory_space<semaphore_mem>>)
      %dma_wait3A_180 = tpu.memref_slice %arg7[%multiple_of3A_177] : memref<16384xf32, #tpu.memory_space<hbm>> -> memref<512xf32, #tpu.memory_space<hbm>>
      %dma_wait3A_181 = tpu.memref_slice %arg7[%multiple_of3A_177] : memref<16384xf32, #tpu.memory_space<hbm>> -> memref<512xf32, #tpu.memory_space<hbm>>
      tpu.wait_dma2 semaphore(%run_scoped3A : memref<!tpu.dma_semaphore, #tpu.memory_space<semaphore_mem>>) src(%arg14 : memref<512xf32, #tpu.memory_space<vmem>>) dst(%dma_wait3A_181 : memref<512xf32, #tpu.memory_space<hbm>>)
      tpu.yield
    }) : () -> ()
    return
  }
}

</mosaic_0001>

<sc_bundles>
// kernel: kernel.3.cloned.1.call-start
scs
__scs_entry_jumppad:
0x0: {  	(pc) =	sbr.rel $0x88, $3  }
0x1: {  	(tag) =	ssettag $0x0;
	lr =	simm.s32 $0x1  }
0x2: {  	[smem:$0x3F9C] =	sst lr;
	_ =	strace $0xD0000000  }
0x3: {  	_ = 	snop  }
0x4: {  	_ = 	snop  }
0x5: {  	_ = 	snop  }
0x6: {  	_ = 	snop  }
0x7: {  	_ = 	snop  }
__scs_overlays_trampoline_lowered:
0x8: {  	[smem:$0x3FAB] =	sst s0  }
0x9: {  	[smem:$0x3FAC] =	sst s1  }
0xa: {  	[smem:$0x3FAD] =	sst s2  }
0xb: {  	[smem:$0x3FAE] =	sst s3  }
0xc: {  	[smem:$0x3FAF] =	sst s4  }
0xd: {  	[smem:$0x3FB0] =	sst s5  }
0xe: {  	[smem:$0x3FB1] =	sst s6  }
0xf: {  	[smem:$0x3FB2] =	sst s7  }
0x10: {  	[smem:$0x3FB3] =	sst s8  }
0x11: {  	[smem:$0x3FB4] =	sst s9;
	s0 =	simm.s32 @!p0 $0x0  }
0x12: {  	s1 =	sld [smem:$0x3F9A];
	s0 =	simm.s32 @p0 $0x1  }
0x13: {  	[smem:$0x3FB5] =	sst s0;
	s0 =	simm.s32 @!p1 $0x0  }
0x14: {  	s2 =	sld [smem:$0x3F99];
	s0 =	simm.s32 @p1 $0x1  }
0x15: {  	[smem:$0x3FB6] =	sst s0;
	s0 =	simm.s32 @!p2 $0x0  }
0x16: {  	s3 =	sld [smem:$0x3FDB];
	s0 =	simm.s32 @p2 $0x1  }
0x17: {  	s4 =	simm.s32 $0x1BF5;
	[smem:$0x3FB8] =	sst s0  }
0x18: {  	s0 =	sld [smem:$0x3F9B];
	_ =	swait.ge [sflag:s4], $0x0  }
0x19: {  	s7 =	sld [smem:$0x3F9C]  }
0x1a: {  	s8 =	sadd.s32 $0xFFFFE003, lr  }
0x1b: {  	s9 =	sadd.s32 $0xFFFFFEF7, lr;
	s5 =	simm.s32 $0xFFFFFFFF;
	p2 =	slt.u32 s8, $0xFFFFF086  }
0x1c: {  	p1 =	slt.u32 s9, $0xF7A;
	s5 =	simm.s32 @!p2 $0x0  }
0x1d: {  	s5 =	simm.s32 @p1 $0x1;
	p0 =	seq.s32 s7, s2  }
0x1e: {  	s7 =	smul.u32 @!p0 $0xF7A, s2;
	p2 =	seq.s32 @!p0 s5, $0x0  }
0x1f: {  	s9 =	smul.u32 $0xF7A, s1;
	s8 =	simm.s32 @!p0 $0x1BF5;
	p2 =	por !p2, p0  }
0x20: {  	[sflag:s8] =	ssyncset.s32 @!p0 $0xFFFFF086;
	s6 =	sadd.s32 @!p0 s3, s7;
	s7 =	simm.s32 @!p0 $0x108  }
0x21: {  	s3 =	sadd.s32 s3, s9;
	s6 =	sadd.s32 @!p0 $0x88, s6;
	s7 =	simm.s32 @p2 $0x1082  }
0x22: {  	[simem:s7], [sflag:s8] =	dma.local @!p0 [hbm:s6], $0xF7A  }
0x23: {  	s9 =	sor.u32 $0xD0000000, s2;
	s6 =	simm.s32 $0x108;
	_ =	swait.ge @!p0 [sflag:s8], $0x0  }
0x24: {  	s3 =	sadd.s32 $0x88, s3;
	s6 =	simm.s32 @!p1 $0x1082;
	[sflag:s4] =	ssyncset.s32 $0xFFFFF086  }
0x25: {  	[simem:s6], [sflag:s4] =	dma.local [hbm:s3], $0xF7A  }
0x26: {  	[smem:$0x3F9C] =	sst s1;
	(tag) =	ssettag s2;
	_ =	strace s9  }
0x27: {  	s1 =	sld [smem:$0x3FAC]  }
0x28: {  	s2 =	sld [smem:$0x3FAD]  }
0x29: {  	s4 =	sld [smem:$0x3FAF]  }
0x2a: {  	p0 =	seq.s32 s5, $0x0;
	s5 =	sld [smem:$0x3FB0]  }
0x2b: {  	s6 =	sld [smem:$0x3FB1]  }
0x2c: {  	s7 =	sld [smem:$0x3FB2]  }
0x2d: {  	s3 =	simm.s32 $0x108;
	s8 =	sld [smem:$0x3FB3]  }
0x2e: {  	s3 =	simm.s32 @!p0 $0x1082;
	s9 =	sld [smem:$0x3FB4]  }
0x2f: {  	lr =	sadd.s32 s0, s3;
	s0 =	sld [smem:$0x3FAB]  }
0x30: {  	s3 =	sld [smem:$0x3FAE]  }
0x31: {  	[smem:$0x3FB7] =	sst s10  }
0x32: {  	s10 =	sld [smem:$0x3FB5];
	_ =	sdelay $0x3  }
0x33: {  	p0 =	seq.s32 s10, $0x1;
	s10 =	sld [smem:$0x3FB7];
	_ =	sdelay $0x3  }
0x34: {  	[smem:$0x3FB7] =	sst s10  }
0x35: {  	s10 =	sld [smem:$0x3FB6];
	_ =	sdelay $0x3  }
0x36: {  	p1 =	seq.s32 s10, $0x1;
	s10 =	sld [smem:$0x3FB7];
	_ =	sdelay $0x3  }
0x37: {  	[smem:$0x3FB7] =	sst s10  }
0x38: {  	s10 =	sld [smem:$0x3FB8]  }
0x39: {  	_ = 	snop;
	(pc) =	sbr.ind lr, $3  }
0x3a: {  	_ = 	snop  }
0x3b: {  	_ = 	snop  }
0x3c: {  	p2 =	seq.s32 s10, $0x1;
	s10 =	sld [smem:$0x3FB7]  }
0x3d: {  	_ =	shalt  }
0x3e: {  	_ =	shalt  }
0x3f: {  	_ =	shalt  }
0x40: {  	_ =	shalt  }
0x41: {  	_ =	shalt  }
0x42: {  	_ =	shalt  }
0x43: {  	_ =	shalt  }
0x44: {  	_ =	shalt  }
0x45: {  	_ =	shalt  }
0x46: {  	_ =	shalt  }
0x47: {  	_ =	shalt  }
0x48: {  	_ =	shalt  }
0x49: {  	_ =	shalt  }
0x4a: {  	_ =	shalt  }
0x4b: {  	_ =	shalt  }
0x4c: {  	_ =	shalt  }
0x4d: {  	_ =	shalt  }
0x4e: {  	_ =	shalt  }
0x4f: {  	_ =	shalt  }
0x50: {  	_ =	shalt  }
0x51: {  	_ =	shalt  }
0x52: {  	_ =	shalt  }
0x53: {  	_ =	shalt  }
0x54: {  	_ =	shalt  }
0x55: {  	_ =	shalt  }
0x56: {  	_ =	shalt  }
0x57: {  	_ =	shalt  }
0x58: {  	_ =	shalt  }
0x59: {  	_ =	shalt  }
0x5a: {  	_ =	shalt  }
0x5b: {  	_ =	shalt  }
0x5c: {  	_ =	shalt  }
0x5d: {  	_ =	shalt  }
0x5e: {  	_ =	shalt  }
0x5f: {  	_ =	shalt  }
0x60: {  	_ =	shalt  }
0x61: {  	_ =	shalt  }
0x62: {  	_ =	shalt  }
0x63: {  	_ =	shalt  }
0x64: {  	_ =	shalt  }
0x65: {  	_ =	shalt  }
0x66: {  	_ =	shalt  }
0x67: {  	_ =	shalt  }
0x68: {  	_ =	shalt  }
0x69: {  	_ =	shalt  }
0x6a: {  	_ =	shalt  }
0x6b: {  	_ =	shalt  }
0x6c: {  	_ =	shalt  }
0x6d: {  	_ =	shalt  }
0x6e: {  	_ =	shalt  }
0x6f: {  	_ =	shalt  }
0x70: {  	_ =	shalt  }
0x71: {  	_ =	shalt  }
0x72: {  	_ =	shalt  }
0x73: {  	_ =	shalt  }
0x74: {  	_ =	shalt  }
0x75: {  	_ =	shalt  }
0x76: {  	_ =	shalt  }
0x77: {  	_ =	shalt  }
0x78: {  	_ =	shalt  }
0x79: {  	_ =	shalt  }
0x7a: {  	_ =	shalt  }
0x7b: {  	_ =	shalt  }
0x7c: {  	_ =	shalt  }
0x7d: {  	_ =	shalt  }
0x7e: {  	_ =	shalt  }
0x7f: {  	_ =	shalt  }
0x80: {  	_ =	shalt  }
0x81: {  	_ =	shalt  }
0x82: {  	_ =	shalt  }
0x83: {  	_ =	shalt  }
0x84: {  	_ =	shalt  }
0x85: {  	_ =	shalt  }
0x86: {  	_ =	shalt  }
0x87: {  	_ =	shalt  }
.Lfunc_end0:
.L_simem_size_0:
called_computation_lowered:
.L_overlay_start_0:
0x88: {  	s2 =	sld [smem:$0x3FD9]  }
0x89: {  	s3 =	sld [smem:$0x3FFE];
	_ =	sdelay $0x1  }
0x8a: {  	s1 =	srdreg.scid  }
0x8b: {  	s0 =	sand.u32 $0x1, s1  }
0x8c: {  	s17 =	sshll.u32 s0, $0xA;
	s2 =	sadd.s32 s3, s2  }
0x8d: {  	s2 =	sadd.s32 s2, s17  }
0x8e: {  	[smem:$0x3FC3] =	sst s2  }
0x8f: {  	_ = 	snop  }
0x90: {  	s2 =	sld [smem:$0x3FC9]  }
0x91: {  	s18 =	sld [smem:$0x3FC8]  }
0x92: {  	s4 =	sld [smem:$0x3FD0];
	(tm) =	ssettm $0x1  }
0x93: {  	s5 =	sld [smem:$0x3FFB];
	_ =	sdelay $0x3  }
0x94: {  	_ =	strace s5  }
0x95: {  	s5 =	sld [smem:$0x3FFC];
	_ =	sdelay $0x3  }
0x96: {  	_ =	strace s5  }
0x97: {  	s5 =	sld [smem:$0x3FFD];
	_ =	sdelay $0x3  }
0x98: {  	_ =	strace s5  }
0x99: {  	_ =	strace $0x8FFFFFFF  }
0x9a: {  	s19 =	sld [smem:$0x3FDB];
	_ =	sdelay $0x1  }
0x9b: {  	s6 =	simm.s32 $_scs_section_size  }
0x9c: {  	s7 =	simm.s32 $_size__tile_overlayer_lowered;
	s8 =	simm.s32 $_tile_overlayer_lowered  }
0x9d: {  	s22 =	simm.s32 $0x1BFF;
	s21 =	sshll.u32 s8, $0x1;
	s5 =	sadd.s32 s6, s19  }
0x9e: {  	s9 =	simm.s32 $0x0;
	s20 =	sshll.u32 s7, $0x1;
	s7 =	sadd.s32 s21, s5  }
0x9f: {  	[timem:s9], [sflag:s22] =	dma.local [hbm:s7], s20  }
0xa0: {  	_ =	swait.ge [sflag:s22], s20  }
0xa1: {  	s6 =	ssub.s32 $0x0, s20;
	[sflag:s22] =	ssyncset.done $0x0  }
0xa2: {  	[sflag:s22] =	ssyncadd.s32 s6;
	_ =	sdelay $0x1  }
0xa3: {  	s23 =	simm.s32 $0x1B8B  }
0xa4: {  	_ =	swait.ge [sflag:s23], $0x1  }
0xa5: {  	[sflag:s23] =	ssyncset.done $0x0  }
0xa6: {  	s25 =	simm.s32 $0x1B8E;
	s24 =	sld [smem:$0x3FFE];
	[sflag:s23] =	ssyncadd.s32 $0xFFFFFFFF  }
0xa7: {  	s26 =	simm.s32 $execute0_lowered;
	[smem:$0x3FD2] =	sst s25  }
0xa8: {  	s7 =	sshll.u32 s26, $0x1;
	_ =	strace $0x80000046;
	[dreg:$0x1] =	wrdreg $0xFFFFFFFF  }
0xa9: {  	s28 =	simm.s32 $_size_execute0_lowered;
	s5 =	sadd.s32 s5, s7;
	[dreg:$0x0] =	wrdreg $0x0  }
0xaa: {  	s7 =	sshll.u32 s28, $0x1;
	[dreg:$0x2] =	wrdreg s5  }
0xab: {  	[dreg:$0x3] =	wrdreg s7  }
0xac: {  	[dreg:$0x4] =	wrdreg $0xC0  }
0xad: {  	_ =	task [dreg:s9], $0x5FFFF  }
0xae: {  	[dreg:$0x1] =	wrdreg $0xFFFFFFFF  }
0xaf: {  	[dreg:$0x0] =	wrdreg $0x60  }
0xb0: {  	[dreg:$0x2] =	wrdreg s2  }
0xb1: {  	[dreg:$0x3] =	wrdreg s18  }
0xb2: {  	[dreg:$0x4] =	wrdreg s24  }
0xb3: {  	[dreg:$0x5] =	wrdreg s4  }
0xb4: {  	[dreg:$0x6] =	wrdreg $0x9  }
0xb5: {  	_ =	task.clear_ibuf [dreg:s9], $0x7FFFF;
	_ =	strace $0x90000046  }
0xb6: {  	s29 =	simm.s32 $0x9;
	_ =	strace $0x80000048  }
0xb7: {  	_ =	swait.ge [sflag:s29], $0x1  }
0xb8: {  	[sflag:s29] =	ssyncadd.s32 $0xFFFFFFFF  }
0xb9: {  	_ =	strace $0x90000048  }
0xba: {  	_ =	sfence  }
0xbb: {  	s30 =	sld [smem:$0x0];
	_ =	sdelay $0x2  }
0xbc: {  	s31 =	sshll.u32 s1, $0xD;
	s1 =	sshrl.u32 s1, $0x2  }
0xbd: {  	s3 =	sand.u32 $0x4000, s31;
	s1 =	sadd.s32 s1, s30  }
0xbe: {  	s0 =	sor.u32 s3, s0;
	s1 =	sshll.u32 s1, $0x11  }
0xbf: {  	s0 =	sor.u32 s1, s0  }
0xc0: {  	s0 =	sadd.s32 $0x8F2B, s0  }
0xc1: {  	[sflag:s0] =	ssyncadd.remote.s32 $0x1  }
0xc2: {  	_ =	sfence.sel $0xFFFF  }
0xc3: {  	[dreg:$0x0] =	wrdreg $0xFFFFFFFF;
	(pc) =	sbr.abs _section_cstart, $3  }
0xc4: {  	[dreg:$0x1] =	wrdreg $0xFFFFFFFF  }
0xc5: {  	_ =	task.clear_ibuf [dreg:s9], $0x2FFFF;
	_ =	strace $0x9FFFFFFF  }
0xc6: {  	(tm) =	ssettm $0x7FFFFFFF  }
0xc7: {  	_ =	shalt  }
tec
execute0_lowered:
.L_overlay_start_1:
0x0: {  	(tag) =	ssettag $0x1  }
0x1: {  	s0 =	rddreg [dreg:$0x0]  }
0x2: {  	s1 =	rddreg [dreg:$0x1]  }
0x3: {  	s4 =	rddreg [dreg:$0x2];
	s2 =	srdreg.scid  }
0x4: {  	s5 =	stileid.u32;
	s8 =	rddreg [dreg:$0x3];
	s15 =	simm.s32 $0x1  }
0x5: {  	s3 =	sand.u32 $0x1, s2;
	s5 =	sshll.u32 s5, $0x1;
	s2 =	simm.s32 $0x0  }
0x6: {  	s25 =	sadd.s32 $0x16E3C00, s4;
	s5 =	sor.u32 s3, s5;
	[smem:$0x7FF] =	sst s2  }
0x7: {  	vm0 =	vcmask $0x300;
	s7 =	ssub.s32 $0x2, s3;
	s6 =	smul.u32 $0x500, s5;
	s11 =	sshll.u32 s5, $0x6  }
0x8: {  	vm1 =	vcmask $0x704;
	vm2 =	vcmask $0xB08;
	vm3 =	vcmask $0xF0C;
	_ =	strace $0x80000047;
	[dreg:$0x5] =	wrdreg s25;
	s0 =	sadd.s32 s0, s11  }
0x9: {  	vm4 =	vcmask $0x1310;
	vm5 =	vcmask $0x1714;
	vm6 =	vcmask $0x1B18;
	s26 =	sshrl.u32 s7, $0x1;
	s28 =	sadd.s32 s1, s11;
	[dreg:$0x6] =	wrdreg s0  }
0xa: {  	vm7 =	vcmask $0x1F1C;
	vm8 =	vcmask $0x2320;
	vm9 =	vcmask $0x2724;
	s10 =	ssub.s32 s7, s26;
	s30 =	sadd.s32 s8, s11;
	[dreg:$0x7] =	wrdreg s28  }
0xb: {  	vm10 =	vcmask $0x2B28;
	vm11 =	vcmask $0x2F2C;
	vm12 =	vcmask $0x3330;
	s9 =	sadd.s32 s6, s4;
	[dreg:$0x9] =	wrdreg s30;
	s31 =	smax.u32 s10, $0x1  }
0xc: {  	vm13 =	vcmask $0x3734;
	v0 =	vimm.f32 $0.0e+00;
	vm15 =	vcmask $0x1300;
	s3 =	simm.s32 $0x0;
	s29 =	sadd.s32 $0x600, s9;
	[dreg:$0xa] =	wrdreg s31  }
0xd: {  	vm14 =	vcmask $0x3B38;
	v1 =	vlaneseq.u32;
	v0 =	vsel vm15, $0x3F800000, v0;
	s1 =	simm.s32 $0x2;
	s4 =	sadd.s32 $0xF42A00, s4;
	[dreg:$0x8] =	wrdreg s29  }
.LBB2_1:
0xe: {  	[dreg:$0xb] =	wrdreg s3  }
0xf: {  	s0 =	rddreg [dreg:$0x6]  }
0x10: {  	[tilespmem:s2], [sflag:$0x2] =	stream.linear.gather [hbm4b:s0+s2], $0x200, $0x38;
	[tilespmem:$0x1CE00] =	vst v63  }
0x11: {  	_ =	swait.ge [sflag:s1], $0x200  }
0x12: {  	[sflag:s1] =	ssyncset.done $0x0  }
0x13: {  	s13 =	simm.s32 $0x200;
	s12 =	rddreg [dreg:$0x7];
	[sflag:s1] =	ssyncadd.s32 $0xFFFFFE00  }
0x14: {  	[tilespmem:s13], [sflag:$0x2] =	stream.linear.gather [hbm4b:s12+s2], $0x200, $0x38;
	[tilespmem:$0x1CE00] =	vst v63  }
0x15: {  	_ =	swait.ge [sflag:s1], $0x200  }
0x16: {  	[sflag:s1] =	ssyncset.done $0x0  }
0x17: {  	s5 =	simm.s32 $0x400;
	s14 =	rddreg [dreg:$0x8];
	[sflag:s1] =	ssyncadd.s32 $0xFFFFFE00  }
0x18: {  	[tilespmem:s5], [sflag:$0x2] =	stream.linear.gather [hbm4b:s14+s2], $0x2800, $0x38;
	[tilespmem:$0x1CE00] =	vst v63  }
0x19: {  	_ =	swait.ge [sflag:s1], $0x2800  }
0x1a: {  	s17 =	simm.s32 $0x80;
	[sflag:s1] =	ssyncset.done $0x0  }
0x1b: {  	s18 =	simm.s32 $0x2C00;
	s16 =	rddreg [dreg:$0x5];
	[sflag:s1] =	ssyncadd.s32 $0xFFFFD800  }
0x1c: {  	[tilespmem:s18], [sflag:$0x1] =	stream.indirect.gather [hbm4b:s16+s17], $0x40, s2, s17, $0xb8;
	[tilespmem:$0x1CE00] =	vst v63  }
0x1d: {  	_ =	swait.ge [sflag:s15], $0x2000  }
0x1e: {  	[sflag:s15] =	ssyncset.done $0x0  }
0x1f: {  	s19 =	simm.s32 $0xAC00;
	[sflag:s15] =	ssyncadd.s32 $0xFFFFE000  }
0x20: {  	[tilespmem:s19], [sflag:$0x1] =	stream.indirect.gather [hbm4b:s4+s17], $0x40, s13, s17, $0xb8;
	[tilespmem:$0x1CE00] =	vst v63  }
0x21: {  	_ =	swait.ge [sflag:s15], $0x2000  }
0x22: {  	[sflag:s15] =	ssyncset.done $0x0  }
0x23: {  	s20 =	simm.s32 $0x4C00;
	[sflag:s15] =	ssyncadd.s32 $0xFFFFE000  }
0x24: {  	[tilespmem:s20], [sflag:$0x1] =	stream.indirect.gather [hbm4b:s16+s17], $0x40, s17, s17, $0xb8;
	[tilespmem:$0x1CE00] =	vst v63  }
0x25: {  	_ =	swait.ge [sflag:s15], $0x2000  }
0x26: {  	[sflag:s15] =	ssyncset.done $0x0  }
0x27: {  	s21 =	simm.s32 $0x280;
	s22 =	simm.s32 $0xCC00;
	[sflag:s15] =	ssyncadd.s32 $0xFFFFE000  }
0x28: {  	[tilespmem:s22], [sflag:$0x1] =	stream.indirect.gather [hbm4b:s4+s17], $0x40, s21, s17, $0xb8;
	[tilespmem:$0x1CE00] =	vst v63  }
0x29: {  	_ =	swait.ge [sflag:s15], $0x2000  }
0x2a: {  	[sflag:s15] =	ssyncset.done $0x0  }
0x2b: {  	s23 =	simm.s32 $0x100;
	s24 =	simm.s32 $0x6C00;
	[sflag:s15] =	ssyncadd.s32 $0xFFFFE000  }
0x2c: {  	[tilespmem:s24], [sflag:$0x1] =	stream.indirect.gather [hbm4b:s16+s17], $0x40, s23, s17, $0xb8;
	[tilespmem:$0x1CE00] =	vst v63  }
0x2d: {  	_ =	swait.ge [sflag:s15], $0x2000  }
0x2e: {  	[sflag:s15] =	ssyncset.done $0x0  }
0x2f: {  	s25 =	simm.s32 $0x300;
	s26 =	simm.s32 $0xEC00;
	[sflag:s15] =	ssyncadd.s32 $0xFFFFE000  }
0x30: {  	[tilespmem:s26], [sflag:$0x1] =	stream.indirect.gather [hbm4b:s4+s17], $0x40, s25, s17, $0xb8;
	[tilespmem:$0x1CE00] =	vst v63  }
0x31: {  	_ =	swait.ge [sflag:s15], $0x2000  }
0x32: {  	[sflag:s15] =	ssyncset.done $0x0  }
0x33: {  	s28 =	simm.s32 $0x180;
	s29 =	simm.s32 $0x8C00;
	[sflag:s15] =	ssyncadd.s32 $0xFFFFE000  }
0x34: {  	[tilespmem:s29], [sflag:$0x1] =	stream.indirect.gather [hbm4b:s16+s17], $0x40, s28, s17, $0xb8;
	[tilespmem:$0x1CE00] =	vst v63  }
0x35: {  	_ =	swait.ge [sflag:s15], $0x2000  }
0x36: {  	[sflag:s15] =	ssyncset.done $0x0  }
0x37: {  	s30 =	simm.s32 $0x380;
	s31 =	simm.s32 $0x10C00;
	[sflag:s15] =	ssyncadd.s32 $0xFFFFE000  }
0x38: {  	[tilespmem:s31], [sflag:$0x1] =	stream.indirect.gather [hbm4b:s4+s17], $0x40, s30, s17, $0xb8;
	[tilespmem:$0x1CE00] =	vst v63  }
0x39: {  	_ =	swait.ge [sflag:s15], $0x2000  }
0x3a: {  	s19 =	simm.s32 $0x0;
	s22 =	simm.s32 $0x2C20;
	[sflag:s15] =	ssyncset.done $0x0  }
0x3b: {  	s24 =	simm.s32 $0x1CBF1;
	s23 =	simm.s32 $0xAC20;
	[sflag:s15] =	ssyncadd.s32 $0xFFFFE000  }
.LBB2_2:
0x3c: {  	s16 =	smul.u32 $0xA00, s19;
	_ =	sdelay $0x1  }
0x3d: {  	s16 =	sshra.s32 s16, $0x2  }
0x3e: {  	s0 =	simm.s32 $0x80;
	s1 =	simm.s32 $0x12C00;
	s17 =	sadd.s32 $0x400, s16  }
0x3f: {  	[tilespmem:s1], [sflag:$0x1] =	stream.indirect.gather [hbm4b:s4+s0], $0x40, s17, s0, $0xb8;
	[tilespmem:$0x1CE00] =	vst v63  }
0x40: {  	_ =	swait.ge [sflag:s15], $0x2000  }
0x41: {  	[sflag:s15] =	ssyncset.done $0x0  }
0x42: {  	s25 =	simm.s32 $0x14C00;
	s21 =	sadd.s32 $0x480, s16;
	[sflag:s15] =	ssyncadd.s32 $0xFFFFE000  }
0x43: {  	[tilespmem:s25], [sflag:$0x1] =	stream.indirect.gather [hbm4b:s4+s0], $0x40, s21, s0, $0xb8;
	[tilespmem:$0x1CE00] =	vst v63  }
0x44: {  	_ =	swait.ge [sflag:s15], $0x2000  }
0x45: {  	[sflag:s15] =	ssyncset.done $0x0  }
0x46: {  	s28 =	simm.s32 $0x16C00;
	s26 =	sadd.s32 $0x500, s16;
	[sflag:s15] =	ssyncadd.s32 $0xFFFFE000  }
0x47: {  	[tilespmem:s28], [sflag:$0x1] =	stream.indirect.gather [hbm4b:s4+s0], $0x40, s26, s0, $0xb8;
	[tilespmem:$0x1CE00] =	vst v63  }
0x48: {  	_ =	swait.ge [sflag:s15], $0x2000  }
0x49: {  	[sflag:s15] =	ssyncset.done $0x0  }
0x4a: {  	s30 =	simm.s32 $0x18C00;
	s29 =	sadd.s32 $0x580, s16;
	[sflag:s15] =	ssyncadd.s32 $0xFFFFE000  }
0x4b: {  	[tilespmem:s30], [sflag:$0x1] =	stream.indirect.gather [hbm4b:s4+s0], $0x40, s29, s0, $0xb8;
	[tilespmem:$0x1CE00] =	vst v63  }
0x4c: {  	_ =	swait.ge [sflag:s15], $0x2000  }
0x4d: {  	[sflag:s15] =	ssyncset.done $0x0  }
0x4e: {  	s31 =	simm.s32 $0x1AC00;
	s16 =	sadd.s32 $0x600, s16;
	[sflag:s15] =	ssyncadd.s32 $0xFFFFE000  }
0x4f: {  	[tilespmem:s31], [sflag:$0x1] =	stream.indirect.gather [hbm4b:s4+s0], $0x40, s16, s0, $0xb8;
	[tilespmem:$0x1CE00] =	vst v63  }
0x50: {  	s20 =	simm.s32 $0x0;
	_ =	swait.ge [sflag:s15], $0x2000  }
0x51: {  	s18 =	smov.u32 s22;
	s17 =	smov.u32 s23;
	[sflag:s15] =	ssyncset.done $0x0  }
0x52: {  	v2 =	vimm.f32 $0.0e+00;
	s21 =	simm.s32 $0x12E80;
	s16 =	smov.u32 s24;
	[sflag:s15] =	ssyncadd.s32 $0xFFFFE000  }
.LBB2_3:
0x53: {  	v5 =	vld [tilespmem:s18+$0xFFFFFFE0]  }
0x54: {  	v6 =	vld [tilespmem:s18+$0xFFFFFFF0]  }
0x55: {  	v4 =	vld [tilespmem:s18+$0x0]  }
0x56: {  	v3 =	vld [tilespmem:s18+$0x10]  }
0x57: {  	v7 =	vld [tilespmem:s17+$0xFFFFFFE0]  }
0x58: {  	v8 =	vld [tilespmem:s17+$0xFFFFFFF0]  }
0x59: {  	v9 =	vld [tilespmem:s17+$0x0]  }
0x5a: {  	v10 =	vld [tilespmem:s17+$0x10]  }
0x5b: {  	v11 =	vld [tilespmem:s21+$0xFFFFFD80]  }
0x5c: {  	v12 =	vld [tilespmem:s21+$0xFFFFFD90]  }
0x5d: {  	v13 =	vld [tilespmem:s21+$0xFFFFFDA0]  }
0x5e: {  	v14 =	vld [tilespmem:s21+$0xFFFFFDB0]  }
0x5f: {  	v15 =	vld [tilespmem:s21+$0xFFFFFDC0]  }
0x60: {  	v16 =	vld [tilespmem:s21+$0xFFFFFDD0]  }
0x61: {  	v17 =	vld [tilespmem:s21+$0xFFFFFDE0]  }
0x62: {  	v18 =	vld [tilespmem:s21+$0xFFFFFDF0]  }
0x63: {  	v19 =	vld [tilespmem:s21+$0xFFFFFE00]  }
0x64: {  	v20 =	vld [tilespmem:s21+$0xFFFFFE10]  }
0x65: {  	v21 =	vld [tilespmem:s21+$0xFFFFFE20]  }
0x66: {  	v22 =	vld [tilespmem:s21+$0xFFFFFE30]  }
0x67: {  	v23 =	vld [tilespmem:s21+$0xFFFFFE40]  }
0x68: {  	v24 =	vld [tilespmem:s21+$0xFFFFFE50]  }
0x69: {  	v25 =	vld [tilespmem:s21+$0xFFFFFE60]  }
0x6a: {  	v26 =	vld [tilespmem:s21+$0xFFFFFE70]  }
0x6b: {  	v27 =	vld [tilespmem:s21+$0xFFFFFE80]  }
0x6c: {  	v28 =	vld [tilespmem:s21+$0xFFFFFE90]  }
0x6d: {  	v29 =	vld [tilespmem:s21+$0xFFFFFEA0]  }
0x6e: {  	v30 =	vld [tilespmem:s21+$0xFFFFFEB0]  }
0x6f: {  	v31 =	vld [tilespmem:s21+$0xFFFFFEC0]  }
0x70: {  	v32 =	vld [tilespmem:s21+$0xFFFFFED0]  }
0x71: {  	v33 =	vld [tilespmem:s21+$0xFFFFFEE0]  }
0x72: {  	v34 =	vld [tilespmem:s21+$0xFFFFFF00]  }
0x73: {  	v35 =	vld [tilespmem:s21+$0xFFFFFF20]  }
0x74: {  	v51 =	vld [tilespmem:s21+$0xFFFFFFC0]  }
0x75: {  	v52 =	vld [tilespmem:s21+$0xFFFFFFD0]  }
0x76: {  	v53 =	vld [tilespmem:s21+$0xFFFFFFE0];
	v7 =	vmul.f32 v7, v5  }
0x77: {  	v54 =	vld [tilespmem:s21+$0x0];
	v8 =	vmul.f32 v8, v6;
	v58 =	vmul.f32 v9, v4  }
0x78: {  	v55 =	vld [tilespmem:s21+$0x10];
	v59 =	vmul.f32 v10, v3;
	v60 =	vmul.f32 v11, v5  }
0x79: {  	v9 =	vld [tilespmem:s21+$0xFFFFFEF0];
	v12 =	vmul.f32 v12, v6;
	v13 =	vmul.f32 v13, v4  }
0x7a: {  	v11 =	vld [tilespmem:s21+$0xFFFFFF10];
	v61 =	vmul.f32 v15, v5;
	v62 =	vmul.f32 v16, v6  }
0x7b: {  	v16 =	vld [tilespmem:s21+$0xFFFFFF30];
	v63 =	vmul.f32 v14, v3;
	v36 =	vmul.f32 v17, v4  }
0x7c: {  	v17 =	vld [tilespmem:s21+$0xFFFFFF40];
	v37 =	vmul.f32 v19, v5;
	v38 =	vmul.f32 v20, v6  }
0x7d: {  	v20 =	vld [tilespmem:s21+$0xFFFFFF50];
	v39 =	vmul.f32 v23, v5;
	v40 =	vmul.f32 v24, v6  }
0x7e: {  	v24 =	vld [tilespmem:s21+$0xFFFFFF60];
	v42 =	vmul.f32 v21, v4;
	v18 =	vmul.f32 v18, v3  }
0x7f: {  	v19 =	vld [tilespmem:s21+$0xFFFFFF70];
	v43 =	vmul.f32 v25, v4;
	v45 =	vmul.f32 v22, v3  }
0x80: {  	v23 =	vld [tilespmem:s21+$0xFFFFFF80];
	v27 =	vmul.f32 v27, v5;
	v28 =	vmul.f32 v28, v6  }
0x81: {  	v15 =	vld [tilespmem:s21+$0xFFFFFF90];
	v31 =	vmul.f32 v31, v5;
	v32 =	vmul.f32 v32, v6  }
0x82: {  	v22 =	vld [tilespmem:s21+$0x20];
	v14 =	vmul.f32 v54, v5;
	v7 =	vadd.f32 v8, v7;
	v10 =	vadd.f32 v12, v60  }
0x83: {  	v25 =	vld [tilespmem:s21+$0x30];
	v54 =	vmul.f32 v55, v6;
	v8 =	vadd.f32 v62, v61;
	v41 =	vadd.f32 v38, v37  }
0x84: {  	v48 =	vmul.f32 v26, v3;
	v55 =	vld [tilespmem:s21+$0x120];
	v27 =	vadd.f32 v28, v27;
	v31 =	vadd.f32 v32, v31  }
0x85: {  	v12 =	vld [tilespmem:s21+$0xFFFFFFB0];
	v62 =	vmul.f32 v33, v4;
	v14 =	vadd.f32 v54, v14;
	v7 =	vadd.f32 v58, v7  }
0x86: {  	v37 =	vld [tilespmem:s21+$0x50];
	v38 =	vmul.f32 v30, v3;
	v10 =	vadd.f32 v13, v10;
	v8 =	vadd.f32 v36, v8  }
0x87: {  	v60 =	vld [tilespmem:s21+$0x60];
	v44 =	vadd.f32 v42, v41;
	v42 =	vmul.f32 v34, v5;
	v9 =	vmul.f32 v9, v3  }
0x88: {  	v33 =	vld [tilespmem:s21+$0x70];
	v13 =	vadd.f32 v40, v39;
	v11 =	vmul.f32 v11, v6;
	v17 =	vmul.f32 v17, v5  }
0x89: {  	v54 =	vld [tilespmem:s21+$0x1F0];
	v40 =	vadd.f32 v62, v31;
	v20 =	vmul.f32 v20, v6;
	v16 =	vmul.f32 v16, v3  }
0x8a: {  	v36 =	vld [tilespmem:s21+$0x40];
	v19 =	vmul.f32 v19, v3;
	v23 =	vmul.f32 v23, v5;
	v7 =	vadd.f32 v59, v7  }
0x8b: {  	v39 =	vld [tilespmem:s21+$0x80];
	v15 =	vmul.f32 v15, v6;
	v10 =	vadd.f32 v63, v10;
	v46 =	vadd.f32 v18, v8  }
0x8c: {  	v62 =	vmul.f32 v25, v3;
	v47 =	vadd.f32 v43, v13;
	v18 =	vld [tilespmem:s21+$0xFFFFFFA0];
	v49 =	vadd.f32 v45, v44  }
0x8d: {  	v13 =	vld [tilespmem:s21+$0xFFFFFFF0];
	v59 =	vmul.f32 v29, v4;
	v45 =	vmul.f32 v35, v4;
	v9 =	vadd.f32 v9, v40;
	(xrf2) =	vadd.scan.msk.f32 $0xffff, v7  }
0x8e: {  	v8 =	vmul.f32 v51, v5;
	v11 =	vadd.f32 v11, v42;
	v50 =	vadd.f32 v48, v47;
	v48 =	vld [tilespmem:s21+$0xD0];
	(xrf2) =	vadd.scan.msk.f32 $0xffff, v10  }
0x8f: {  	v17 =	vadd.f32 v20, v17;
	v15 =	vadd.f32 v15, v23;
	v7 =	vmul.f32 v53, v4;
	v53 =	vld [tilespmem:s21+$0x110];
	(xrf2) =	vadd.scan.msk.f32 $0xffff, v46  }
0x90: {  	v27 =	vadd.f32 v59, v27;
	v47 =	vmul.f32 v24, v4;
	v10 =	vmul.f32 v52, v6;
	v52 =	vld [tilespmem:s21+$0x100];
	(xrf2) =	vadd.scan.msk.f32 $0xffff, v49  }
0x91: {  	v12 =	vmul.f32 v12, v3;
	v60 =	vmul.f32 v60, v4;
	v11 =	vadd.f32 v45, v11;
	v46 =	vld [tilespmem:s21+$0xC0]  }
0x92: {  	v41 =	vld [tilespmem:s21+$0x90];
	v27 =	vadd.f32 v38, v27;
	v17 =	vadd.f32 v47, v17;
	v51 =	vmul.f32 v18, v4;
	(xrf2) =	vadd.scan.msk.f32 $0xffff, v50  }
0x93: {  	v43 =	vld [tilespmem:s21+$0xA0];
	v35 =	vmul.f32 v33, v3;
	v11 =	vadd.f32 v16, v11;
	v8 =	vadd.f32 v10, v8  }
0x94: {  	v44 =	vld [tilespmem:s21+$0xB0];
	v13 =	vmul.f32 v13, v3;
	v17 =	vadd.f32 v19, v17;
	v15 =	vadd.f32 v51, v15  }
0x95: {  	v23 =	vld [tilespmem:s21+$0x130];
	v7 =	vadd.f32 v7, v8;
	v10 =	vmul.f32 v53, v6;
	v18 =	vmul.f32 v52, v5  }
0x96: {  	v59 =	vld [tilespmem:s21+$0x140];
	v24 =	vmul.f32 v48, v6;
	v12 =	vadd.f32 v12, v15;
	v40 =	vmul.f32 v46, v5  }
0x97: {  	v29 =	vmul.f32 v54, v3;
	v45 =	vld [tilespmem:s21+$0x1C0];
	v7 =	vadd.f32 v13, v7;
	v10 =	vadd.f32 v10, v18;
	v56, _, _ =	vpop (xrf2)  }
0x98: {  	v38 =	vmul.f32 v41, v6;
	v49 =	vld [tilespmem:s21+$0xE0];
	v13 =	vadd.f32 v24, v40;
	(v2sf) =	vpush v56, $0xF;
	v57, _, _ =	vpop (xrf2)  }
0x99: {  	v41 =	vld [tilespmem:s21+$0x190];
	v56 =	vmul.f32 v36, v5;
	(v2sf) =	vpush v57, $0xF;
	v58, _, _ =	vpop (xrf2);
	v57 =	vmul.f32 v37, v6  }
0x9a: {  	v50 =	vld [tilespmem:s21+$0xF0];
	(xrf2) =	vadd.scan.msk.f32 $0xffff, v27;
	v37 =	vmul.f32 v39, v5;
	(v2sf) =	vpush v58, $0xF;
	v61, _, _ =	vpop (xrf2);
	v58 =	vmul.f32 v22, v4  }
0x9b: {  	v42 =	vmul.f32 v43, v4;
	v43 =	vld [tilespmem:s21+$0x1A0];
	(xrf2) =	vadd.scan.msk.f32 $0xffff, v9;
	(v2sf) =	vpush v61, $0xF;
	v8 =	vadd.f32 v57, v56  }
0x9c: {  	v26 =	vmul.f32 v44, v3;
	v39 =	vld [tilespmem:s21+$0x180];
	(xrf2) =	vadd.scan.msk.f32 $0xffff, v11;
	v63, _, _ =	vpop (xrf2);
	v15 =	vadd.f32 v38, v37;
	v14 =	vadd.f32 v58, v14  }
0x9d: {  	v44 =	vmul.f32 v49, v4;
	(xrf2) =	vadd.scan.msk.f32 $0xffff, v17;
	v61 =	vld [tilespmem:s21+$0x150];
	(v2sf) =	vpush v63, $0xF;
	v8 =	vadd.f32 v60, v8  }
0x9e: {  	v52 =	vmul.f32 v55, v4;
	(xrf2) =	vadd.scan.msk.f32 $0xffff, v12;
	v63 =	vld [tilespmem:s21+$0x160];
	v15 =	vadd.f32 v42, v15;
	v14 =	vadd.f32 v62, v14  }
0x9f: {  	v20 =	vmul.f32 v50, v3;
	v50 =	vld [tilespmem:s21+$0x1B0];
	v47 =	vadd.f32 v44, v13;
	(xrf2) =	vadd.scan.msk.f32 $0xffff, v7;
	v8 =	vadd.f32 v35, v8  }
0xa0: {  	v46 =	vld [tilespmem:s21+$0x1D0];
	v10 =	vadd.f32 v52, v10;
	v62 =	vmul.f32 v23, v3;
	v51 =	vadd.f32 v26, v15;
	(xrf2) =	vadd.scan.msk.f32 $0xffff, v14  }
0xa1: {  	v36 =	vld [tilespmem:s21+$0x170];
	v9 =	vadd.f32 v20, v47;
	v56 =	vmul.f32 v41, v6;
	v55 =	vmul.f32 v39, v5;
	(xrf2) =	vadd.scan.msk.f32 $0xffff, v8  }
0xa2: {  	v48 =	vmul.f32 v59, v5;
	v53 =	vld [tilespmem:s21+$0x1E0];
	v49 =	vmul.f32 v61, v6;
	v10 =	vadd.f32 v62, v10;
	(xrf2) =	vadd.scan.msk.f32 $0xffff, v51  }
0xa3: {  	v57 =	vld [tilespmem:s21+$0x200];
	v12 =	vadd.f32 v56, v55;
	v16 =	vmul.f32 v63, v4;
	v63 =	vmul.f32 v43, v4;
	(xrf2) =	vadd.scan.msk.f32 $0xffff, v9  }
0xa4: {  	v59 =	vmul.f32 v45, v5;
	v27 =	vmul.f32 v50, v3;
	v61 =	vld [tilespmem:s21+$0x210];
	v31, _, _ =	vpop (xrf2);
	v13 =	vadd.f32 v49, v48;
	(xrf2) =	vadd.scan.msk.f32 $0xffff, v10  }
0xa5: {  	v25 =	vld [tilespmem:s21+$0x220];
	v60 =	vmul.f32 v46, v6;
	(v2sf) =	vpush v31, $0xF;
	v35, _, _ =	vpop (xrf2);
	v26 =	vadd.f32 v63, v12  }
0xa6: {  	v22 =	vmul.f32 v36, v3;
	v49 =	vld [tilespmem:s21+$0x240];
	(v2sf) =	vpush v35, $0xF;
	v37, _, _ =	vpop (xrf2);
	v58 =	vadd.f32 v16, v13  }
0xa7: {  	v23 =	vmul.f32 v53, v4;
	v51 =	vld [tilespmem:s21+$0x250];
	v13 =	vadd.f32 v60, v59;
	(v2sf) =	vpush v37, $0xF;
	v40, _, _ =	vpop (xrf2)  }
0xa8: {  	v30 =	vld [tilespmem:s21+$0x230];
	v33 =	vmul.f32 v57, v5;
	v32 =	vadd.f32 v27, v26;
	v41, _, _ =	vpop (xrf2);
	(v2sf) =	vpush v40, $0xF  }
0xa9: {  	v54 =	vld [tilespmem:s21+$0x260];
	v34 =	vmul.f32 v61, v6;
	v7 =	vadd.f32 v22, v58;
	v44, _, _ =	vpop (xrf2);
	(v2sf) =	vpush v41, $0xF  }
0xaa: {  	v39 =	vmul.f32 v25, v4;
	v28 =	vadd.f32 v23, v13;
	(v2sf) =	vpush v44, $0xF;
	v45, _, _ =	vpop (xrf2)  }
0xab: {  	v56 =	vld [tilespmem:s21+$0x270];
	v38 =	vadd.f32 v34, v33;
	v5 =	vmul.f32 v49, v5;
	v46, _, _ =	vpop (xrf2);
	(v2sf) =	vpush v45, $0xF  }
0xac: {  	v6 =	vmul.f32 v51, v6;
	(xrf2) =	vadd.scan.msk.f32 $0xffff, v7;
	v36 =	vadd.f32 v29, v28;
	(v2sf) =	vpush v46, $0xF;
	v47, _, _ =	vpop (xrf2)  }
0xad: {  	v43 =	vmul.f32 v30, v3;
	(xrf2) =	vadd.scan.msk.f32 $0xffff, v32;
	v42 =	vadd.f32 v39, v38;
	v48, _, _ =	vpop (xrf2);
	(v2sf) =	vpush v47, $0xF  }
0xae: {  	v4 =	vmul.f32 v54, v4;
	v5 =	vadd.f32 v6, v5;
	(xrf2) =	vadd.scan.msk.f32 $0xffff, v36;
	v50, _, _ =	vpop (xrf2);
	(v2sf) =	vpush v48, $0xF  }
0xaf: {  	s25 =	spop (v2sf);
	(v2sf) =	vpush v50, $0xF  }
0xb0: {  	v3 =	vmul.f32 v56, v3;
	s26 =	spop (v2sf);
	v8 =	vadd.f32 v43, v42;
	v4 =	vadd.f32 v4, v5  }
0xb1: {  	s28 =	spop (v2sf)  }
0xb2: {  	s25 =	smax.f32 s25, $-4.000000000e+00;
	s12 =	spop (v2sf);
	(xrf2) =	vadd.scan.msk.f32 $0xffff, v8;
	v3 =	vadd.f32 v3, v4  }
0xb3: {  	s25 =	smin.f32 s25, $4.000000000e+00;
	s11 =	spop (v2sf)  }
0xb4: {  	s26 =	smax.f32 s26, $-4.000000000e+00;
	(xrf2) =	vadd.scan.msk.f32 $0xffff, v3;
	s5 =	spop (v2sf)  }
0xb5: {  	s25 =	ssub.f32 $0.0e+00, s25;
	s6 =	spop (v2sf)  }
0xb6: {  	s26 =	smin.f32 s26, $4.000000000e+00;
	v52, _, _ =	vpop (xrf2);
	s7 =	spop (v2sf)  }
0xb7: {  	s28 =	smax.f32 s28, $-4.000000000e+00;
	v53, _, _ =	vpop (xrf2);
	(v2sf) =	vpush v52, $0xF;
	s8 =	spop (v2sf)  }
0xb8: {  	s28 =	smin.f32 s28, $4.000000000e+00;
	v55, _, _ =	vpop (xrf2);
	(v2sf) =	vpush v53, $0xF;
	s9 =	spop (v2sf)  }
0xb9: {  	s12 =	smax.f32 s12, $-4.000000000e+00;
	(v2sf) =	vpush v55, $0xF;
	s2 =	spop (v2sf)  }
0xba: {  	s12 =	smin.f32 s12, $4.000000000e+00;
	s3 =	spop (v2sf)  }
0xbb: {  	s11 =	smax.f32 s11, $-4.000000000e+00;
	s10 =	spop (v2sf)  }
0xbc: {  	s11 =	smin.f32 s11, $4.000000000e+00;
	v57, _, _ =	vpop (xrf2);
	s14 =	spop (v2sf)  }
0xbd: {  	s5 =	smax.f32 s5, $-4.000000000e+00;
	(v2sf) =	vpush v57, $0xF;
	s29 =	spop (v2sf)  }
0xbe: {  	s5 =	smin.f32 s5, $4.000000000e+00;
	v3, _, _ =	vpop (xrf2);
	s30 =	spop (v2sf)  }
0xbf: {  	s6 =	smax.f32 s6, $-4.000000000e+00;
	(v2sf) =	vpush v3, $0xF;
	s30 =	smax.f32 s30, $-4.000000000e+00  }
0xc0: {  	s7 =	smax.f32 s7, $-4.000000000e+00;
	s30 =	smin.f32 s30, $4.000000000e+00  }
0xc1: {  	s6 =	smin.f32 s6, $4.000000000e+00;
	s7 =	smin.f32 s7, $4.000000000e+00;
	v3 =	vmov s30  }
0xc2: {  	s8 =	smax.f32 s8, $-4.000000000e+00;
	s9 =	smax.f32 s9, $-4.000000000e+00;
	v3 =	vsel vm0, s25, v3  }
0xc3: {  	s8 =	smin.f32 s8, $4.000000000e+00;
	s9 =	smin.f32 s9, $4.000000000e+00;
	v3 =	vsel vm1, s26, v3  }
0xc4: {  	s2 =	smax.f32 s2, $-4.000000000e+00;
	s3 =	smax.f32 s3, $-4.000000000e+00;
	v3 =	vsel vm2, s28, v3  }
0xc5: {  	s2 =	smin.f32 s2, $4.000000000e+00;
	s3 =	smin.f32 s3, $4.000000000e+00;
	v3 =	vsel vm3, s12, v3  }
0xc6: {  	s30 =	smax.f32 s14, $-4.000000000e+00;
	s31 =	spop (v2sf);
	v3 =	vsel vm4, s11, v3  }
0xc7: {  	s1 =	spop (v2sf);
	s14 =	smax.f32 s31, $-4.000000000e+00;
	v3 =	vsel vm5, s5, v3  }
0xc8: {  	s0 =	spop (v2sf);
	s28 =	smax.f32 s10, $-4.000000000e+00;
	v3 =	vsel vm6, s6, v3  }
0xc9: {  	s1 =	smax.f32 s1, $-4.000000000e+00;
	s12 =	smax.f32 s29, $-4.000000000e+00;
	v3 =	vsel vm7, s7, v3  }
0xca: {  	s0 =	smax.f32 s0, $-4.000000000e+00;
	s1 =	smin.f32 s1, $4.000000000e+00;
	v3 =	vsel vm8, s8, v3  }
0xcb: {  	s11 =	smin.f32 s30, $4.000000000e+00;
	s8 =	smin.f32 s14, $4.000000000e+00;
	v3 =	vsel vm9, s9, v3  }
0xcc: {  	s0 =	smin.f32 s0, $4.000000000e+00;
	s13 =	spop (v2sf);
	v58 =	vmov s8;
	v3 =	vsel vm10, s2, v3  }
0xcd: {  	s5 =	smin.f32 s28, $4.000000000e+00;
	s25 =	smax.f32 s13, $-4.000000000e+00;
	v4 =	vnsel vm0, $0x0, v58;
	v3 =	vsel vm11, s3, v3  }
0xce: {  	s7 =	smin.f32 s12, $4.000000000e+00;
	s26 =	spop (v2sf);
	v4 =	vsel vm1, s1, v4;
	v3 =	vsel vm12, s5, v3  }
0xcf: {  	s28 =	smin.f32 s25, $4.000000000e+00;
	s29 =	smax.f32 s26, $-4.000000000e+00;
	v4 =	vsel vm2, s0, v4;
	v3 =	vsel vm13, s11, v3  }
0xd0: {  	s30 =	smin.f32 s29, $4.000000000e+00;
	v4 =	vsel vm3, s28, v4;
	v3 =	vsel vm14, s7, v3  }
0xd1: {  	v4 =	vsel vm4, s30, v4;
	v59 =	vand.u32 $0x7FFFFFFF, v3  }
0xd2: {  	v60 =	vand.u32 $0x7FFFFFFF, v4;
	v5 =	vsub.f32 $0.0e+00, v59  }
0xd3: {  	v6 =	vsub.f32 $0.0e+00, v60  }
0xd4: {  	v5 =	vmul.f32 $1.442695020e+00, v5  }
0xd5: {  	v6 =	vmul.f32 $1.442695020e+00, v6  }
0xd6: {  	(erf) = vpow2.f32 v5  }
0xd7: {  	(erf) = vpow2.f32 v6;
	_ =	sdelay $0x7  }
0xd8: {  	v5 =	vpop (erf)  }
0xd9: {  	v6 =	vpop (erf)  }
0xda: {  	v61 =	vmul.f32 $2.288323590e-03, v6;
	_ =	sdelay $0x1  }
0xdb: {  	v62 =	vmul.f32 $2.288323590e-03, v5;
	v7 =	vsub.f32 $1.514707040e-02, v61;
	_ =	sdelay $0x1  }
0xdc: {  	v8 =	vsub.f32 $1.514707040e-02, v62;
	v7 =	vmul.f32 v7, v6;
	_ =	sdelay $0x1  }
0xdd: {  	v8 =	vmul.f32 v8, v5;
	v7 =	vadd.f32 $-4.713800550e-02, v7;
	_ =	sdelay $0x1  }
0xde: {  	v8 =	vadd.f32 $-4.713800550e-02, v8;
	v7 =	vmul.f32 v7, v6;
	_ =	sdelay $0x1  }
0xdf: {  	v8 =	vmul.f32 v8, v5;
	v7 =	vadd.f32 $9.471043940e-02, v7;
	_ =	sdelay $0x1  }
0xe0: {  	v8 =	vadd.f32 $9.471043940e-02, v8;
	v7 =	vmul.f32 v7, v6;
	_ =	sdelay $0x1  }
0xe1: {  	v8 =	vmul.f32 v8, v5;
	v7 =	vadd.f32 $-1.451823260e-01, v7;
	_ =	sdelay $0x1  }
0xe2: {  	v8 =	vadd.f32 $-1.451823260e-01, v8;
	v7 =	vmul.f32 v7, v6;
	_ =	sdelay $0x1  }
0xe3: {  	v8 =	vmul.f32 v8, v5;
	v7 =	vadd.f32 $1.933796260e-01, v7;
	_ =	sdelay $0x1  }
0xe4: {  	v8 =	vadd.f32 $1.933796260e-01, v8;
	v7 =	vmul.f32 v7, v6;
	_ =	sdelay $0x1  }
0xe5: {  	v8 =	vmul.f32 v8, v5;
	v7 =	vadd.f32 $-2.486593280e-01, v7;
	_ =	sdelay $0x1  }
0xe6: {  	v8 =	vadd.f32 $-2.486593280e-01, v8;
	v7 =	vmul.f32 v7, v6;
	_ =	sdelay $0x1  }
0xe7: {  	v8 =	vmul.f32 v8, v5;
	v7 =	vadd.f32 $3.331671660e-01, v7;
	_ =	sdelay $0x1  }
0xe8: {  	v8 =	vadd.f32 $3.331671660e-01, v8;
	v7 =	vmul.f32 v7, v6;
	_ =	sdelay $0x1  }
0xe9: {  	v8 =	vmul.f32 v8, v5;
	v7 =	vadd.f32 $-4.999887940e-01, v7;
	_ =	sdelay $0x1  }
0xea: {  	v8 =	vadd.f32 $-4.999887940e-01, v8;
	v7 =	vmul.f32 v7, v6;
	_ =	sdelay $0x1  }
0xeb: {  	v8 =	vmul.f32 v8, v5;
	v7 =	vadd.f32 $9.999996420e-01, v7;
	_ =	sdelay $0x1  }
0xec: {  	v8 =	vadd.f32 $9.999996420e-01, v8;
	v6 =	vmul.f32 v7, v6;
	_ =	sdelay $0x1  }
0xed: {  	v5 =	vmul.f32 v8, v5;
	v6 =	vadd.f32 $2.386723490e-09, v6  }
0xee: {  	v4 =	vmax.f32 v4, $0.0e+00  }
0xef: {  	v5 =	vadd.f32 $2.386723490e-09, v5;
	v4 =	vadd.f32 v6, v4  }
0xf0: {  	v3 =	vmax.f32 v3, $0.0e+00  }
0xf1: {  	v3 =	vadd.f32 v5, v3;
	v4 =	vmul.f32 v0, v4;
	_ =	sdelay $0x1  }
0xf2: {  	v3 =	vadd.f32 v4, v3;
	_ =	sdelay $0x1  }
0xf3: {  	(xrf2) =	vadd.scan.msk.f32 $0xffff, v3;
	_ =	sdelay $0x9  }
0xf4: {  	s31 =	sand.u32 $0xF, s20;
	v3, _, _ =	vpop (xrf2)  }
0xf5: {  	v63 =	vmov s31;
	v3 =	vbroadcast v3, $0xF  }
0xf6: {  	vm15 =	veq.s32 v63, v1  }
0xf7: {  	s20 =	sadd.s32 $0x1, s20;
	p0 =	sne.s32 s31, $0xF;
	v2 =	vsel vm15, v3, v2  }
0xf8: {  	[tilespmem:s16+$0x0] =	vst @!p0 v2;
	p0 =	sne.s32 s20, $0x20  }
.Ltmp0:
0xf9: {  	_ = 	snop;
	(pc) =	sbr.rel @p0 .LBB2_3-.Ltmp0, $3  }
0xfa: {  	_ =	sdelay $0x1  }
0xfb: {  	s17 =	sadd.s32 $0x40, s17  }
0xfc: {  	s18 =	sadd.s32 $0x40, s18;
	s21 =	sadd.s32 $0x500, s21;
	s16 =	sadd.s32 $0x1, s16  }
0xfd: {  	s19 =	sadd.s32 $0x1, s19  }
0xfe: {  	p0 =	sne.s32 s19, $0x10  }
.Ltmp1:
0xff: {  	_ = 	snop;
	(pc) =	sbr.rel @p0 .LBB2_2-.Ltmp1, $2  }
0x100: {  	_ =	sdelay $0x2  }
0x101: {  	s24 =	sadd.s32 $0x20, s24;
	s23 =	sadd.s32 $0x800, s23;
	s22 =	sadd.s32 $0x800, s22  }
0x102: {  	s2 =	simm.s32 $0x0;
	s0 =	rddreg [dreg:$0x9];
	s1 =	simm.s32 $0x1CC00  }
0x103: {  	[hbm4b:s0+s2] =	stream.linear.scatter [tilespmem:s1], [sflag:$0x2], $0x200, $0x38;
	[tilespmem:$0x1CE00] =	vst v63  }
0x104: {  	s1 =	simm.s32 $0x2  }
0x105: {  	_ =	swait.ge [sflag:s1], $0x200  }
0x106: {  	s3 =	rddreg [dreg:$0xb]  }
0x107: {  	s31 =	rddreg [dreg:$0xa];
	s3 =	sadd.s32 $0x1, s3  }
0x108: {  	p0 =	sne.s32 s3, s31  }
.Ltmp2:
0x109: {  	_ = 	snop;
	(pc) =	sbr.rel @p0 .LBB2_1-.Ltmp2, $3  }
0x10a: {  	_ =	sdelay $0x1  }
0x10b: {  	[sflag:s1] =	ssyncset.done $0x0  }
0x10c: {  	[sflag:s1] =	ssyncadd.s32 $0xFFFFFE00  }
0x10d: {  	_ =	sfence.sel $0x180000  }
0x10e: {  	[bflag:$0x0] =	sbarrier.arrive $0xFFFF  }
0x10f: {  	_ =	strace $0x90000047  }
0x110: {  	s0 =	stileid.u32;
	[bflag:$0x2] =	sbarrier.arrive $0xFFFF  }
0x111: {  	p0 =	sne.s32 s0, $0x0;
	s0 =	rddreg [dreg:$0x4]  }
0x112: {  	s0 =	sadd.s32 @!p0 $0x100000, s0  }
0x113: {  	[sflag:s0] =	ssyncadd.tile.s32 @!p0 $0x1;
	_ =	shalt  }
.Lfunc_end2:
_tile_overlayer_lowered:
.L_overlay_start_2:
0x114: {  	(tag) =	ssettag $0x2  }
0x115: {  	s0 =	rddreg [dreg:$0x0];
	s2 =	stileid.u32  }
0x116: {  	s1 =	rddreg [dreg:$0x1];
	p0 =	sne.s32 s2, $0x0  }
0x117: {  	s3 =	rddreg [dreg:$0x2];
	[bflag:$0x3] =	sbarrier.arrive $0xFFFF;
	s2 =	simm.s32 @!p0 $0x1C02  }
0x118: {  	[timem:s3], [sflag:s2] =	dma.local @!p0 [hbm:s0], s1  }
0x119: {  	s0 =	simm.s32 @!p0 $0x2  }
0x11a: {  	_ =	swait.ge @!p0 [sflag:s0], s1  }
0x11b: {  	s1 =	ssub.s32 @!p0 $0x0, s1;
	[sflag:s0] =	ssyncset.done @!p0 $0x0  }
0x11c: {  	[sflag:s0] =	ssyncadd.s32 @!p0 s1  }
0x11d: {  	[bflag:$0x3] =	sbarrier.arrive $0xFFFF  }
0x11e: {  	_ =	shalt  }

</sc_bundles>
